<compile_context>
chip_gen: v7x
topology: tpu7x:2x2x1
jax: 0.10.2.dev20260603
libtpu: 0.0.44.dev20260713+nightly
codegen_flags: <defaults>
</compile_context>

<pallas_src>
import functools
import math

import jax
import jax.numpy as jnp
from jax import lax
from jax.experimental import pallas as pl
from jax.experimental.pallas import tpu as pltpu
from jax.experimental.pallas import tpu_sc as plsc

V = 100000
E = 128
B = 128
L = 32
NR = 100
N = B * L
NW = 32
TPW = N // NW
NSP = 112
CHUNK = 32
NCH = TPW // CHUNK

LOG_V = math.log(V)
LOG_NR = math.log(NR)
LOG_S = math.log(V * (V + 1) / 2.0)

_mesh = plsc.VectorSubcoreMesh(core_axis_name="c", subcore_axis_name="s")


@functools.partial(
    pl.kernel,
    mesh=_mesh,
    out_type=[
        jax.ShapeDtypeStruct((N // 8, 128), jnp.float32),
        jax.ShapeDtypeStruct((NSP, E), jnp.float32),
        jax.ShapeDtypeStruct((NSP,), jnp.float32),
        jax.ShapeDtypeStruct((NSP,), jnp.int32),
    ],
    scratch_types=[
        pltpu.VMEM((TPW,), jnp.int32),
        pltpu.VMEM((TPW,), jnp.int32),
        pltpu.VMEM((TPW, E), jnp.float32),
        pltpu.VMEM((2, CHUNK, E), jnp.float32),
        pltpu.VMEM((TPW + 16,), jnp.float32),
        pltpu.VMEM((TPW // 8, 128), jnp.float32),
        pltpu.VMEM((16,), jnp.int32),
        pltpu.VMEM((16, E), jnp.float32),
        pltpu.VMEM((16,), jnp.float32),
        pltpu.VMEM_SHARED((V,), jnp.float32),
        pltpu.SemaphoreType.DMA,
        pltpu.SemaphoreType.DMA,
        pltpu.SemaphoreType.DMA,
        pltpu.SemaphoreType.DMA,
    ],
)
def _sc_gather(tgt_hbm, ns_hbm, inp_hbm, emb_hbm, bias_hbm,
               score_out, nb_out, nbias_out, nsp_out,
               idx_v, iidx_v, inp_v, rows2_v, bias_v, score_v,
               nidx16_v, nrows_v, nbias16_v, sbias,
               sem_r, sem_b, sem_i, nsem):
    wid = lax.axis_index("s") * 2 + lax.axis_index("c")
    base = wid * TPW

    @pl.when(lax.axis_index("s") == 15)
    def _():
        pltpu.sync_copy(bias_hbm, sbias)

    for g in range(TPW // 16):
        iidx_v[pl.ds(16 * g, 16)] = (lax.iota(jnp.int32, 16) + 16 * g) * L + wid
    cp_inp = pltpu.async_copy(inp_hbm.at[iidx_v], inp_v, sem_i)
    pltpu.sync_copy(tgt_hbm.at[pl.ds(base, TPW)], idx_v)
    pltpu.async_copy(emb_hbm.at[idx_v.at[pl.ds(0, CHUNK)]],
                     rows2_v.at[0], sem_r)
    pltpu.async_copy(emb_hbm.at[idx_v.at[pl.ds(CHUNK, CHUNK)]],
                     rows2_v.at[1], sem_r)

    lanes16 = lax.iota(jnp.int32, 16)
    is_noise_tile = wid < 7
    nbase = jnp.where(wid < 6, wid * 16, 88)

    @pl.when(is_noise_tile)
    def _():
        @pl.when(wid < 6)
        def _():
            pltpu.sync_copy(ns_hbm.at[pl.ds(nbase, 16)], nidx16_v)

        @pl.when(wid == 6)
        def _():
            pltpu.sync_copy(ns_hbm.at[pl.ds(88, 8)], nidx16_v.at[pl.ds(0, 8)])
            pltpu.sync_copy(ns_hbm.at[pl.ds(96, 4)], nidx16_v.at[pl.ds(8, 4)])
            got = nidx16_v[pl.ds(0, 16)]
            nidx16_v[pl.ds(0, 16)] = jnp.where(lanes16 < 12, got, 0)

        pltpu.sync_copy(nidx16_v, nsp_out.at[pl.ds(nbase, 16)])
        pltpu.async_copy(emb_hbm.at[nidx16_v], nrows_v, nsem).wait()
        pltpu.sync_copy(nrows_v, nb_out.at[pl.ds(nbase, 16)])

    plsc.subcore_barrier()
    cp_bias = pltpu.async_copy(sbias.at[idx_v],
                               bias_v.at[pl.ds(0, TPW)], sem_b)

    @pl.when(is_noise_tile)
    def _():
        nbase = wid * 16
        pltpu.async_copy(sbias.at[nidx16_v], nbias16_v, nsem).wait()
        pltpu.sync_copy(nbias16_v, nbias_out.at[pl.ds(nbase, 16)])

    cp_inp.wait()
    cp_bias.wait()
    lane0 = lax.iota(jnp.int32, 16) == 0

    def chunk_body(c, _):
        buf = c & 1
        pltpu.make_async_copy(emb_hbm.at[pl.ds(0, CHUNK)],
                              rows2_v.at[buf], sem_r).wait()

        @plsc.parallel_loop(0, CHUNK, unroll=8)
        def body(k):
            i = c * CHUNK + k
            acc = rows2_v[buf, k, pl.ds(0, 16)] * inp_v[i, pl.ds(0, 16)]
            for j in range(1, E // 16):
                acc = acc + (rows2_v[buf, k, pl.ds(16 * j, 16)]
                             * inp_v[i, pl.ds(16 * j, 16)])
            acc = acc + jnp.where(lane0, bias_v[pl.ds(i, 16)], 0.0)
            score_v[i >> 3, pl.ds((i & 7) * 16, 16)] = acc

        @pl.when(c + 2 < NCH)
        def _():
            nxt = (c + 2) * CHUNK
            pltpu.async_copy(emb_hbm.at[idx_v.at[pl.ds(nxt, CHUNK)]],
                             rows2_v.at[buf], sem_r)

        return 0

    lax.fori_loop(0, NCH, chunk_body, 0)
    pltpu.sync_copy(score_v, score_out.at[pl.ds(wid * (TPW // 8), TPW // 8)])


BLK = 2048
GR = BLK // 128


def _tc_loss_body(inp_ref, score_ref, tgt_ref, nb_ref, nbias_ref, ns_ref,
                  out_ref):
    step = pl.program_id(0)

    @pl.when(step == 0)
    def _():
        out_ref[0, 0] = 0.0

    lsel = (lax.broadcasted_iota(jnp.int32, (128, 8), 0) >> 4
            == lax.broadcasted_iota(jnp.int32, (128, 8), 1))
    msel = jnp.where(lsel, 1.0, 0.0)
    tdot = lax.dot_general(score_ref[...], msel, (((1,), (0,)), ((), ())),
                           preferred_element_type=jnp.float32)
    tgt_f = tgt_ref[...].astype(jnp.float32)
    x_t = (tdot - LOG_V - (jnp.log(tgt_f + 1.0) - LOG_S) - LOG_NR)
    t_sum = jnp.sum(jnp.maximum(-x_t, 0.0)
                    + jnp.log(1.0 + jnp.exp(-jnp.abs(x_t))))

    ns_f = ns_ref[...].astype(jnp.float32)
    col_off = nbias_ref[...] - LOG_V - (jnp.log(ns_f + 1.0) - LOG_S) - LOG_NR
    scores = lax.dot_general(inp_ref[...], nb_ref[...],
                             (((1,), (1,)), ((), ())),
                             preferred_element_type=jnp.float32)
    x_n = scores + col_off
    sp = jnp.maximum(x_n, 0.0) + jnp.log(1.0 + jnp.exp(-jnp.abs(x_n)))
    mask = lax.broadcasted_iota(jnp.int32, (BLK, NSP), 1) < NR
    n_sum = jnp.sum(jnp.where(mask, sp, 0.0))

    out_ref[0, 0] += (t_sum + n_sum) * (1.0 / N)


_tc_loss = pl.pallas_call(
    _tc_loss_body,
    grid=(N // BLK,),
    in_specs=[
        pl.BlockSpec((BLK, E), lambda i: (i, 0)),
        pl.BlockSpec((BLK // 8, 128), lambda i: (i, 0)),
        pl.BlockSpec((BLK // 8, 8), lambda i: (i, 0)),
        pl.BlockSpec((NSP, E), lambda i: (0, 0)),
        pl.BlockSpec((1, NSP), lambda i: (0, 0)),
        pl.BlockSpec((1, NSP), lambda i: (0, 0)),
    ],
    out_specs=pl.BlockSpec(memory_space=pltpu.SMEM),
    out_shape=jax.ShapeDtypeStruct((1, 1), jnp.float32),
)


def kernel(target, inp, noise_samples, emb_weight, bias_weight):
    tgt = target.T.reshape(-1).astype(jnp.int32)
    ns = noise_samples.astype(jnp.int32)
    inp_flat = inp.reshape(N, E)
    bias1d = bias_weight.T.reshape(-1)
    score, nb, nbias, nsp = _sc_gather(tgt, ns, inp_flat, emb_weight, bias1d)
    out = _tc_loss(inp_flat, score, tgt.reshape(N // 8, 8), nb,
                   nbias.reshape(1, NSP), nsp.reshape(1, NSP))
    return out[0, 0]

# --- scband reference (transcript-rebuilt; emitter-appended) ---
"""Pipeline reference for scband-nceloss-3925600108902 (READ-ONLY COPY).

The authoritative reference and input builder live on the scoring server;
editing this copy changes nothing except your own understanding.
"""

import jax, jax.numpy as jnp
import numpy as np
import math

V = 100000
E = 128
B = 128
L = 32
NR = 100


def _logprob_noise():
    # idx2count = list(range(1, V+1)); build_unigram_noise normalizes counts to a distribution
    counts = jnp.arange(1, V + 1, dtype=jnp.float32)
    noise = counts / counts.sum()
    probs = noise / noise.sum()
    probs = jnp.clip(probs, 1e-10, None)
    probs = probs / probs.sum()
    return jnp.log(probs)


def setup_inputs(seed: int = 0) -> dict:
    key = jax.random.key(seed)
    k1, k2, k3, k4, k5 = jax.random.split(key, 5)
    target = jax.random.randint(k1, (B, L), 0, V)
    inp = jax.random.normal(k2, (B, L, E), dtype=jnp.float32)
    emb_weight = jax.random.normal(k3, (V, E), dtype=jnp.float32) * 0.02
    bias_weight = jax.random.normal(k4, (V, 1), dtype=jnp.float32) * 0.02
    # per_word=False: a single shared draw of NR noise samples (alias multinomial made explicit/deterministic)
    noise_samples = jax.random.categorical(k5, _logprob_noise(), shape=(NR,))
    return {"target": target, "inp": inp, "noise_samples": noise_samples, "emb_weight": emb_weight, "bias_weight": bias_weight}


def reference(target, inp, noise_samples, emb_weight, bias_weight):
    norm_term = math.log(V)  # norm_term='auto' -> log(vocab)
    logprob_noise = _logprob_noise()
    Bv, Lv = target.shape

    # noise log-probs under the noise distribution
    lnn = logprob_noise[noise_samples]  # (NR,)
    logit_noise_in_noise = jnp.broadcast_to(lnn[None, None, :], (Bv, Lv, NR))
    logit_target_in_noise = logprob_noise[target]  # (B, L)

    # _compute_sampled_logit_batched
    inp_flat = inp.reshape(-1, inp.shape[-1])            # (B*L, E)
    t_flat = target.reshape(-1)                          # (B*L,)
    tb = emb_weight[t_flat]                              # gather (B*L, E)
    t_bias = bias_weight[t_flat, 0]                      # gather (B*L,)
    target_score = (jnp.sum(inp_flat * tb, axis=1) + t_bias).reshape(Bv, Lv) - norm_term
    nb = emb_weight[noise_samples]                       # gather (NR, E)
    n_bias = bias_weight[noise_samples, 0]               # gather (NR,)
    noise_score = (inp_flat @ nb.T + n_bias[None, :]).reshape(Bv, Lv, NR) - norm_term

    # nce_loss (training branch)
    logit_model = jnp.concatenate([target_score[..., None], noise_score], axis=-1)
    logit_noise = jnp.concatenate([logit_target_in_noise[..., None], logit_noise_in_noise], axis=-1)
    x = logit_model - logit_noise - math.log(NR)
    label = jnp.zeros_like(x).at[..., 0].set(1.0)
    # BCEWithLogitsLoss(reduction='none'), numerically stable
    bce = jnp.clip(x, 0, None) - x * label + jnp.log1p(jnp.exp(-jnp.abs(x)))
    loss = bce.sum(axis=2)
    # reduction='elementwise_mean'
    return loss.mean()


if False:  # reference __main__ guard neutralized (emitter)
    out = reference(**setup_inputs())
    print(out)

if __name__ == "__main__":
    import jax
    _d = setup_inputs()
    print(jax.jit(kernel)(*tuple(_d.values())))

</pallas_src>

<mosaic_0001>
#map = affine_map<(d0, d1) -> (0)>
#map1 = affine_map<(d0, d1) -> (0, 0)>
module attributes {stable_mosaic.version = 14 : i64} {
  func.func @_sc_gather(%arg0: i32, %arg1: i32, %arg2: memref<4096xi32, #tpu.memory_space<hbm>>, %arg3: memref<100xi32, #tpu.memory_space<hbm>>, %arg4: memref<4096x128xf32, #tpu.memory_space<hbm>>, %arg5: memref<100000x128xf32, #tpu.memory_space<hbm>>, %arg6: memref<100000xf32, #tpu.memory_space<hbm>>, %arg7: memref<512x128xf32, #tpu.memory_space<hbm>>, %arg8: memref<112x128xf32, #tpu.memory_space<hbm>>, %arg9: memref<112xf32, #tpu.memory_space<hbm>>, %arg10: memref<112xi32, #tpu.memory_space<hbm>>, %arg11: memref<128xi32, #tpu.memory_space<vmem>>, %arg12: memref<128xi32, #tpu.memory_space<vmem>>, %arg13: memref<128x128xf32, #tpu.memory_space<vmem>>, %arg14: memref<2x32x128xf32, #tpu.memory_space<vmem>>, %arg15: memref<144xf32, #tpu.memory_space<vmem>>, %arg16: memref<16x128xf32, #tpu.memory_space<vmem>>, %arg17: memref<16xi32, #tpu.memory_space<vmem>>, %arg18: memref<16x128xf32, #tpu.memory_space<vmem>>, %arg19: memref<16xf32, #tpu.memory_space<vmem>>, %arg20: memref<100000xf32, #tpu.memory_space<vmem_shared>>, %arg21: memref<!tpu.dma_semaphore, #tpu.memory_space<semaphore_mem>>, %arg22: memref<!tpu.dma_semaphore, #tpu.memory_space<semaphore_mem>>, %arg23: memref<!tpu.dma_semaphore, #tpu.memory_space<semaphore_mem>>, %arg24: memref<!tpu.dma_semaphore, #tpu.memory_space<semaphore_mem>>) attributes {dimension_semantics = [#tpu.dimension_semantics<core_parallel>, #tpu.dimension_semantics<subcore_parallel>], iteration_bounds = array<i64: 2, 16>, scalar_prefetch = 0 : i64, scratch_operands = 14 : i64, tpu.core_type = #tpu.core_type<sc_vector_subcore>, window_params = [{transform_indices = #map}, {transform_indices = #map}, {transform_indices = #map1}, {transform_indices = #map1}, {transform_indices = #map}, {transform_indices = #map1}, {transform_indices = #map1}, {transform_indices = #map}, {transform_indices = #map}]} {
    %mul3A = arith.constant 2 : i32
    %mul3A_0 = arith.muli %arg1, %mul3A : i32
    %add3A = arith.addi %mul3A_0, %arg0 : i32
    %mul3A_1 = arith.constant 128 : i32
    %mul3A_2 = arith.muli %add3A, %mul3A_1 : i32
    %eq3A = arith.constant 15 : i32
    %eq3A_3 = arith.cmpi eq, %arg1, %eq3A : i32
    %convert_element_type3A = arith.extui %eq3A_3 : i1 to i32
    %cond3A = arith.constant 0 : i32
    %cond3A_4 = arith.cmpi ne, %convert_element_type3A, %cond3A : i32
    scf.if %cond3A_4 {
      "tpu.region"() ({
        %run_scoped3A = tpu.sem_alloc : memref<!tpu.dma_semaphore, #tpu.memory_space<semaphore_mem>>
        tpu.enqueue_dma source(%arg6 : memref<100000xf32, #tpu.memory_space<hbm>>) target(%arg20 : memref<100000xf32, #tpu.memory_space<vmem_shared>>) target_semaphore(%run_scoped3A : memref<!tpu.dma_semaphore, #tpu.memory_space<semaphore_mem>>)
        tpu.wait_dma2 semaphore(%run_scoped3A : memref<!tpu.dma_semaphore, #tpu.memory_space<semaphore_mem>>) src(%arg6 : memref<100000xf32, #tpu.memory_space<hbm>>) dst(%arg20 : memref<100000xf32, #tpu.memory_space<vmem_shared>>)
        tpu.yield
      }) : () -> ()
    } else {
    }
    %iota3A = tpu.iota {dimensions = array<i32: 0>} : vector<16xi32>
    %add3A_5 = arith.constant 0 : i32
    %add3A_6 = vector.broadcast %add3A_5 : i32 to vector<16xi32>
    %add3A_7 = arith.addi %iota3A, %add3A_6 : vector<16xi32>
    %mul3A_8 = arith.constant 32 : i32
    %mul3A_9 = vector.broadcast %mul3A_8 : i32 to vector<16xi32>
    %mul3A_10 = arith.muli %add3A_7, %mul3A_9 : vector<16xi32>
    %add3A_11 = vector.broadcast %add3A : i32 to vector<16xi32>
    %add3A_12 = arith.addi %mul3A_10, %add3A_11 : vector<16xi32>
    %swap3A = arith.constant 0 : index
    %swap3A_13 = tpu.vector_load %arg12[%swap3A] {strides = array<i32>} : memref<128xi32, #tpu.memory_space<vmem>>, vector<16xi32>,
    %swap3A_14 = vector.shape_cast %swap3A_13 : vector<16xi32> to vector<16xi32>
    %swap3A_15 = vector.shape_cast %add3A_12 : vector<16xi32> to vector<16xi32>
    tpu.vector_store %arg12[%swap3A], %swap3A_15 {strides = array<i32>} : memref<128xi32, #tpu.memory_space<vmem>>, vector<16xi32>,
    %iota3A_16 = tpu.iota {dimensions = array<i32: 0>} : vector<16xi32>
    %add3A_17 = arith.constant 16 : i32
    %add3A_18 = vector.broadcast %add3A_17 : i32 to vector<16xi32>
    %add3A_19 = arith.addi %iota3A_16, %add3A_18 : vector<16xi32>
    %mul3A_20 = arith.constant 32 : i32
    %mul3A_21 = vector.broadcast %mul3A_20 : i32 to vector<16xi32>
    %mul3A_22 = arith.muli %add3A_19, %mul3A_21 : vector<16xi32>
    %add3A_23 = vector.broadcast %add3A : i32 to vector<16xi32>
    %add3A_24 = arith.addi %mul3A_22, %add3A_23 : vector<16xi32>
    %swap3A_25 = arith.constant 16 : index
    %swap3A_26 = tpu.vector_load %arg12[%swap3A_25] {strides = array<i32>} : memref<128xi32, #tpu.memory_space<vmem>>, vector<16xi32>,
    %swap3A_27 = vector.shape_cast %swap3A_26 : vector<16xi32> to vector<16xi32>
    %swap3A_28 = vector.shape_cast %add3A_24 : vector<16xi32> to vector<16xi32>
    tpu.vector_store %arg12[%swap3A_25], %swap3A_28 {strides = array<i32>} : memref<128xi32, #tpu.memory_space<vmem>>, vector<16xi32>,
    %iota3A_29 = tpu.iota {dimensions = array<i32: 0>} : vector<16xi32>
    %add3A_30 = arith.constant 32 : i32
    %add3A_31 = vector.broadcast %add3A_30 : i32 to vector<16xi32>
    %add3A_32 = arith.addi %iota3A_29, %add3A_31 : vector<16xi32>
    %mul3A_33 = arith.constant 32 : i32
    %mul3A_34 = vector.broadcast %mul3A_33 : i32 to vector<16xi32>
    %mul3A_35 = arith.muli %add3A_32, %mul3A_34 : vector<16xi32>
    %add3A_36 = vector.broadcast %add3A : i32 to vector<16xi32>
    %add3A_37 = arith.addi %mul3A_35, %add3A_36 : vector<16xi32>
    %swap3A_38 = arith.constant 32 : index
    %swap3A_39 = tpu.vector_load %arg12[%swap3A_38] {strides = array<i32>} : memref<128xi32, #tpu.memory_space<vmem>>, vector<16xi32>,
    %swap3A_40 = vector.shape_cast %swap3A_39 : vector<16xi32> to vector<16xi32>
    %swap3A_41 = vector.shape_cast %add3A_37 : vector<16xi32> to vector<16xi32>
    tpu.vector_store %arg12[%swap3A_38], %swap3A_41 {strides = array<i32>} : memref<128xi32, #tpu.memory_space<vmem>>, vector<16xi32>,
    %iota3A_42 = tpu.iota {dimensions = array<i32: 0>} : vector<16xi32>
    %add3A_43 = arith.constant 48 : i32
    %add3A_44 = vector.broadcast %add3A_43 : i32 to vector<16xi32>
    %add3A_45 = arith.addi %iota3A_42, %add3A_44 : vector<16xi32>
    %mul3A_46 = arith.constant 32 : i32
    %mul3A_47 = vector.broadcast %mul3A_46 : i32 to vector<16xi32>
    %mul3A_48 = arith.muli %add3A_45, %mul3A_47 : vector<16xi32>
    %add3A_49 = vector.broadcast %add3A : i32 to vector<16xi32>
    %add3A_50 = arith.addi %mul3A_48, %add3A_49 : vector<16xi32>
    %swap3A_51 = arith.constant 48 : index
    %swap3A_52 = tpu.vector_load %arg12[%swap3A_51] {strides = array<i32>} : memref<128xi32, #tpu.memory_space<vmem>>, vector<16xi32>,
    %swap3A_53 = vector.shape_cast %swap3A_52 : vector<16xi32> to vector<16xi32>
    %swap3A_54 = vector.shape_cast %add3A_50 : vector<16xi32> to vector<16xi32>
    tpu.vector_store %arg12[%swap3A_51], %swap3A_54 {strides = array<i32>} : memref<128xi32, #tpu.memory_space<vmem>>, vector<16xi32>,
    %iota3A_55 = tpu.iota {dimensions = array<i32: 0>} : vector<16xi32>
    %add3A_56 = arith.constant 64 : i32
    %add3A_57 = vector.broadcast %add3A_56 : i32 to vector<16xi32>
    %add3A_58 = arith.addi %iota3A_55, %add3A_57 : vector<16xi32>
    %mul3A_59 = arith.constant 32 : i32
    %mul3A_60 = vector.broadcast %mul3A_59 : i32 to vector<16xi32>
    %mul3A_61 = arith.muli %add3A_58, %mul3A_60 : vector<16xi32>
    %add3A_62 = vector.broadcast %add3A : i32 to vector<16xi32>
    %add3A_63 = arith.addi %mul3A_61, %add3A_62 : vector<16xi32>
    %swap3A_64 = arith.constant 64 : index
    %swap3A_65 = tpu.vector_load %arg12[%swap3A_64] {strides = array<i32>} : memref<128xi32, #tpu.memory_space<vmem>>, vector<16xi32>,
    %swap3A_66 = vector.shape_cast %swap3A_65 : vector<16xi32> to vector<16xi32>
    %swap3A_67 = vector.shape_cast %add3A_63 : vector<16xi32> to vector<16xi32>
    tpu.vector_store %arg12[%swap3A_64], %swap3A_67 {strides = array<i32>} : memref<128xi32, #tpu.memory_space<vmem>>, vector<16xi32>,
    %iota3A_68 = tpu.iota {dimensions = array<i32: 0>} : vector<16xi32>
    %add3A_69 = arith.constant 80 : i32
    %add3A_70 = vector.broadcast %add3A_69 : i32 to vector<16xi32>
    %add3A_71 = arith.addi %iota3A_68, %add3A_70 : vector<16xi32>
    %mul3A_72 = arith.constant 32 : i32
    %mul3A_73 = vector.broadcast %mul3A_72 : i32 to vector<16xi32>
    %mul3A_74 = arith.muli %add3A_71, %mul3A_73 : vector<16xi32>
    %add3A_75 = vector.broadcast %add3A : i32 to vector<16xi32>
    %add3A_76 = arith.addi %mul3A_74, %add3A_75 : vector<16xi32>
    %swap3A_77 = arith.constant 80 : index
    %swap3A_78 = tpu.vector_load %arg12[%swap3A_77] {strides = array<i32>} : memref<128xi32, #tpu.memory_space<vmem>>, vector<16xi32>,
    %swap3A_79 = vector.shape_cast %swap3A_78 : vector<16xi32> to vector<16xi32>
    %swap3A_80 = vector.shape_cast %add3A_76 : vector<16xi32> to vector<16xi32>
    tpu.vector_store %arg12[%swap3A_77], %swap3A_80 {strides = array<i32>} : memref<128xi32, #tpu.memory_space<vmem>>, vector<16xi32>,
    %iota3A_81 = tpu.iota {dimensions = array<i32: 0>} : vector<16xi32>
    %add3A_82 = arith.constant 96 : i32
    %add3A_83 = vector.broadcast %add3A_82 : i32 to vector<16xi32>
    %add3A_84 = arith.addi %iota3A_81, %add3A_83 : vector<16xi32>
    %mul3A_85 = arith.constant 32 : i32
    %mul3A_86 = vector.broadcast %mul3A_85 : i32 to vector<16xi32>
    %mul3A_87 = arith.muli %add3A_84, %mul3A_86 : vector<16xi32>
    %add3A_88 = vector.broadcast %add3A : i32 to vector<16xi32>
    %add3A_89 = arith.addi %mul3A_87, %add3A_88 : vector<16xi32>
    %swap3A_90 = arith.constant 96 : index
    %swap3A_91 = tpu.vector_load %arg12[%swap3A_90] {strides = array<i32>} : memref<128xi32, #tpu.memory_space<vmem>>, vector<16xi32>,
    %swap3A_92 = vector.shape_cast %swap3A_91 : vector<16xi32> to vector<16xi32>
    %swap3A_93 = vector.shape_cast %add3A_89 : vector<16xi32> to vector<16xi32>
    tpu.vector_store %arg12[%swap3A_90], %swap3A_93 {strides = array<i32>} : memref<128xi32, #tpu.memory_space<vmem>>, vector<16xi32>,
    %iota3A_94 = tpu.iota {dimensions = array<i32: 0>} : vector<16xi32>
    %add3A_95 = arith.constant 112 : i32
    %add3A_96 = vector.broadcast %add3A_95 : i32 to vector<16xi32>
    %add3A_97 = arith.addi %iota3A_94, %add3A_96 : vector<16xi32>
    %mul3A_98 = arith.constant 32 : i32
    %mul3A_99 = vector.broadcast %mul3A_98 : i32 to vector<16xi32>
    %mul3A_100 = arith.muli %add3A_97, %mul3A_99 : vector<16xi32>
    %add3A_101 = vector.broadcast %add3A : i32 to vector<16xi32>
    %add3A_102 = arith.addi %mul3A_100, %add3A_101 : vector<16xi32>
    %swap3A_103 = arith.constant 112 : index
    %swap3A_104 = tpu.vector_load %arg12[%swap3A_103] {strides = array<i32>} : memref<128xi32, #tpu.memory_space<vmem>>, vector<16xi32>,
    %swap3A_105 = vector.shape_cast %swap3A_104 : vector<16xi32> to vector<16xi32>
    %swap3A_106 = vector.shape_cast %add3A_102 : vector<16xi32> to vector<16xi32>
    tpu.vector_store %arg12[%swap3A_103], %swap3A_106 {strides = array<i32>} : memref<128xi32, #tpu.memory_space<vmem>>, vector<16xi32>,
    %dma_start3A = arith.constant 0 : i32
    %dma_start3A_107 = arith.constant 0 : i32
    %dma_start3A_108 = tpu.memref_slice %arg4[%dma_start3A, %dma_start3A_107] : memref<4096x128xf32, #tpu.memory_space<hbm>> -> memref<4096x128xf32, #tpu.memory_space<hbm>>
    tpu.enqueue_indirect_dma source(%dma_start3A_108 : memref<4096x128xf32, #tpu.memory_space<hbm>>) target(%arg13 : memref<128x128xf32, #tpu.memory_space<vmem>>) offsets(%arg12 : memref<128xi32, #tpu.memory_space<vmem>>) semaphore(%arg23 : memref<!tpu.dma_semaphore, #tpu.memory_space<semaphore_mem>>)
    "tpu.region"() ({
      %run_scoped3A = tpu.sem_alloc : memref<!tpu.dma_semaphore, #tpu.memory_space<semaphore_mem>>
      %dma_start3A_163 = tpu.memref_slice %arg2[%mul3A_2] : memref<4096xi32, #tpu.memory_space<hbm>> -> memref<128xi32, #tpu.memory_space<hbm>>
      %dma_start3A_164 = tpu.memref_slice %arg2[%mul3A_2] : memref<4096xi32, #tpu.memory_space<hbm>> -> memref<128xi32, #tpu.memory_space<hbm>>
      tpu.enqueue_dma source(%dma_start3A_164 : memref<128xi32, #tpu.memory_space<hbm>>) target(%arg11 : memref<128xi32, #tpu.memory_space<vmem>>) target_semaphore(%run_scoped3A : memref<!tpu.dma_semaphore, #tpu.memory_space<semaphore_mem>>)
      %dma_wait3A_165 = tpu.memref_slice %arg2[%mul3A_2] : memref<4096xi32, #tpu.memory_space<hbm>> -> memref<128xi32, #tpu.memory_space<hbm>>
      %dma_wait3A_166 = tpu.memref_slice %arg2[%mul3A_2] : memref<4096xi32, #tpu.memory_space<hbm>> -> memref<128xi32, #tpu.memory_space<hbm>>
      tpu.wait_dma2 semaphore(%run_scoped3A : memref<!tpu.dma_semaphore, #tpu.memory_space<semaphore_mem>>) src(%dma_wait3A_166 : memref<128xi32, #tpu.memory_space<hbm>>) dst(%arg11 : memref<128xi32, #tpu.memory_space<vmem>>)
      tpu.yield
    }) : () -> ()
    %dma_start3A_109 = arith.constant 0 : i32
    %dma_start3A_110 = arith.constant 0 : i32
    %dma_start3A_111 = arith.constant 0 : i32
    %dma_start3A_112 = tpu.memref_slice %arg14[%dma_start3A_109, %dma_start3A_110, %dma_start3A_111] : memref<2x32x128xf32, #tpu.memory_space<vmem>> -> memref<1x32x128xf32, #tpu.memory_space<vmem>>
    %dma_start3A_113 = tpu.memref_squeeze %dma_start3A_112 : memref<1x32x128xf32, #tpu.memory_space<vmem>> -> memref<32x128xf32, #tpu.memory_space<vmem>>
    %dma_start3A_114 = arith.constant 0 : i32
    %dma_start3A_115 = tpu.memref_slice %arg11[%dma_start3A_114] : memref<128xi32, #tpu.memory_space<vmem>> -> memref<32xi32, #tpu.memory_space<vmem>>
    %dma_start3A_116 = arith.constant 0 : i32
    %dma_start3A_117 = arith.constant 0 : i32
    %dma_start3A_118 = tpu.memref_slice %arg5[%dma_start3A_116, %dma_start3A_117] : memref<100000x128xf32, #tpu.memory_space<hbm>> -> memref<100000x128xf32, #tpu.memory_space<hbm>>
    tpu.enqueue_indirect_dma source(%dma_start3A_118 : memref<100000x128xf32, #tpu.memory_space<hbm>>) target(%dma_start3A_113 : memref<32x128xf32, #tpu.memory_space<vmem>>) offsets(%dma_start3A_115 : memref<32xi32, #tpu.memory_space<vmem>>) semaphore(%arg21 : memref<!tpu.dma_semaphore, #tpu.memory_space<semaphore_mem>>)
    %dma_start3A_119 = arith.constant 1 : i32
    %dma_start3A_120 = arith.constant 0 : i32
    %dma_start3A_121 = arith.constant 0 : i32
    %dma_start3A_122 = tpu.memref_slice %arg14[%dma_start3A_119, %dma_start3A_120, %dma_start3A_121] : memref<2x32x128xf32, #tpu.memory_space<vmem>> -> memref<1x32x128xf32, #tpu.memory_space<vmem>>
    %dma_start3A_123 = tpu.memref_squeeze %dma_start3A_122 : memref<1x32x128xf32, #tpu.memory_space<vmem>> -> memref<32x128xf32, #tpu.memory_space<vmem>>
    %dma_start3A_124 = arith.constant 32 : i32
    %dma_start3A_125 = tpu.memref_slice %arg11[%dma_start3A_124] : memref<128xi32, #tpu.memory_space<vmem>> -> memref<32xi32, #tpu.memory_space<vmem>>
    %dma_start3A_126 = arith.constant 0 : i32
    %dma_start3A_127 = arith.constant 0 : i32
    %dma_start3A_128 = tpu.memref_slice %arg5[%dma_start3A_126, %dma_start3A_127] : memref<100000x128xf32, #tpu.memory_space<hbm>> -> memref<100000x128xf32, #tpu.memory_space<hbm>>
    tpu.enqueue_indirect_dma source(%dma_start3A_128 : memref<100000x128xf32, #tpu.memory_space<hbm>>) target(%dma_start3A_123 : memref<32x128xf32, #tpu.memory_space<vmem>>) offsets(%dma_start3A_125 : memref<32xi32, #tpu.memory_space<vmem>>) semaphore(%arg21 : memref<!tpu.dma_semaphore, #tpu.memory_space<semaphore_mem>>)
    %iota3A_129 = tpu.iota {dimensions = array<i32: 0>} : vector<16xi32>
    %lt3A = arith.constant 7 : i32
    %lt3A_130 = arith.cmpi slt, %add3A, %lt3A : i32
    %lt3A_131 = arith.constant 6 : i32
    %lt3A_132 = arith.cmpi slt, %add3A, %lt3A_131 : i32
    %mul3A_133 = arith.constant 16 : i32
    %mul3A_134 = arith.muli %add3A, %mul3A_133 : i32
    %jit3A = arith.constant 88 : i32
    %select_n3A = arith.select %lt3A_132, %mul3A_134, %jit3A : i32
    %convert_element_type3A_135 = arith.extui %lt3A_130 : i1 to i32
    %cond3A_136 = arith.constant 0 : i32
    %cond3A_137 = arith.cmpi ne, %convert_element_type3A_135, %cond3A_136 : i32
    scf.if %cond3A_137 {
      %lt3A_163 = arith.constant 6 : i32
      %lt3A_164 = arith.cmpi slt, %add3A, %lt3A_163 : i32
      %convert_element_type3A_165 = arith.extui %lt3A_164 : i1 to i32
      %cond3A_166 = arith.constant 0 : i32
      %cond3A_167 = arith.cmpi ne, %convert_element_type3A_165, %cond3A_166 : i32
      scf.if %cond3A_167 {
        "tpu.region"() ({
          %run_scoped3A = tpu.sem_alloc : memref<!tpu.dma_semaphore, #tpu.memory_space<semaphore_mem>>
          %dma_start3A_179 = tpu.memref_slice %arg3[%select_n3A] : memref<100xi32, #tpu.memory_space<hbm>> -> memref<16xi32, #tpu.memory_space<hbm>>
          %dma_start3A_180 = tpu.memref_slice %arg3[%select_n3A] : memref<100xi32, #tpu.memory_space<hbm>> -> memref<16xi32, #tpu.memory_space<hbm>>
          tpu.enqueue_dma source(%dma_start3A_180 : memref<16xi32, #tpu.memory_space<hbm>>) target(%arg17 : memref<16xi32, #tpu.memory_space<vmem>>) target_semaphore(%run_scoped3A : memref<!tpu.dma_semaphore, #tpu.memory_space<semaphore_mem>>)
          %dma_wait3A_181 = tpu.memref_slice %arg3[%select_n3A] : memref<100xi32, #tpu.memory_space<hbm>> -> memref<16xi32, #tpu.memory_space<hbm>>
          %dma_wait3A_182 = tpu.memref_slice %arg3[%select_n3A] : memref<100xi32, #tpu.memory_space<hbm>> -> memref<16xi32, #tpu.memory_space<hbm>>
          tpu.wait_dma2 semaphore(%run_scoped3A : memref<!tpu.dma_semaphore, #tpu.memory_space<semaphore_mem>>) src(%dma_wait3A_182 : memref<16xi32, #tpu.memory_space<hbm>>) dst(%arg17 : memref<16xi32, #tpu.memory_space<vmem>>)
          tpu.yield
        }) : () -> ()
      } else {
      }
      %eq3A_168 = arith.constant 6 : i32
      %eq3A_169 = arith.cmpi eq, %add3A, %eq3A_168 : i32
      %convert_element_type3A_170 = arith.extui %eq3A_169 : i1 to i32
      %cond3A_171 = arith.constant 0 : i32
      %cond3A_172 = arith.cmpi ne, %convert_element_type3A_170, %cond3A_171 : i32
      scf.if %cond3A_172 {
        "tpu.region"() ({
          %run_scoped3A = tpu.sem_alloc : memref<!tpu.dma_semaphore, #tpu.memory_space<semaphore_mem>>
          %dma_start3A_190 = arith.constant 0 : i32
          %dma_start3A_191 = tpu.memref_slice %arg17[%dma_start3A_190] : memref<16xi32, #tpu.memory_space<vmem>> -> memref<8xi32, #tpu.memory_space<vmem>>
          %dma_start3A_192 = arith.constant 88 : i32
          %dma_start3A_193 = tpu.memref_slice %arg3[%dma_start3A_192] : memref<100xi32, #tpu.memory_space<hbm>> -> memref<8xi32, #tpu.memory_space<hbm>>
          %dma_start3A_194 = arith.constant 0 : i32
          %dma_start3A_195 = tpu.memref_slice %arg17[%dma_start3A_194] : memref<16xi32, #tpu.memory_space<vmem>> -> memref<8xi32, #tpu.memory_space<vmem>>
          %dma_start3A_196 = arith.constant 88 : i32
          %dma_start3A_197 = tpu.memref_slice %arg3[%dma_start3A_196] : memref<100xi32, #tpu.memory_space<hbm>> -> memref<8xi32, #tpu.memory_space<hbm>>
          tpu.enqueue_dma source(%dma_start3A_197 : memref<8xi32, #tpu.memory_space<hbm>>) target(%dma_start3A_195 : memref<8xi32, #tpu.memory_space<vmem>>) target_semaphore(%run_scoped3A : memref<!tpu.dma_semaphore, #tpu.memory_space<semaphore_mem>>)
          %dma_wait3A_198 = arith.constant 0 : i32
          %dma_wait3A_199 = tpu.memref_slice %arg17[%dma_wait3A_198] : memref<16xi32, #tpu.memory_space<vmem>> -> memref<8xi32, #tpu.memory_space<vmem>>
          %dma_wait3A_200 = arith.constant 88 : i32
          %dma_wait3A_201 = tpu.memref_slice %arg3[%dma_wait3A_200] : memref<100xi32, #tpu.memory_space<hbm>> -> memref<8xi32, #tpu.memory_space<hbm>>
          %dma_wait3A_202 = arith.constant 0 : i32
          %dma_wait3A_203 = tpu.memref_slice %arg17[%dma_wait3A_202] : memref<16xi32, #tpu.memory_space<vmem>> -> memref<8xi32, #tpu.memory_space<vmem>>
          %dma_wait3A_204 = arith.constant 88 : i32
          %dma_wait3A_205 = tpu.memref_slice %arg3[%dma_wait3A_204] : memref<100xi32, #tpu.memory_space<hbm>> -> memref<8xi32, #tpu.memory_space<hbm>>
          tpu.wait_dma2 semaphore(%run_scoped3A : memref<!tpu.dma_semaphore, #tpu.memory_space<semaphore_mem>>) src(%dma_wait3A_205 : memref<8xi32, #tpu.memory_space<hbm>>) dst(%dma_wait3A_203 : memref<8xi32, #tpu.memory_space<vmem>>)
          tpu.yield
        }) : () -> ()
        "tpu.region"() ({
          %run_scoped3A = tpu.sem_alloc : memref<!tpu.dma_semaphore, #tpu.memory_space<semaphore_mem>>
          %dma_start3A_190 = arith.constant 8 : i32
          %dma_start3A_191 = tpu.memref_slice %arg17[%dma_start3A_190] : memref<16xi32, #tpu.memory_space<vmem>> -> memref<4xi32, #tpu.memory_space<vmem>>
          %dma_start3A_192 = arith.constant 96 : i32
          %dma_start3A_193 = tpu.memref_slice %arg3[%dma_start3A_192] : memref<100xi32, #tpu.memory_space<hbm>> -> memref<4xi32, #tpu.memory_space<hbm>>
          %dma_start3A_194 = arith.constant 8 : i32
          %dma_start3A_195 = tpu.memref_slice %arg17[%dma_start3A_194] : memref<16xi32, #tpu.memory_space<vmem>> -> memref<4xi32, #tpu.memory_space<vmem>>
          %dma_start3A_196 = arith.constant 96 : i32
          %dma_start3A_197 = tpu.memref_slice %arg3[%dma_start3A_196] : memref<100xi32, #tpu.memory_space<hbm>> -> memref<4xi32, #tpu.memory_space<hbm>>
          tpu.enqueue_dma source(%dma_start3A_197 : memref<4xi32, #tpu.memory_space<hbm>>) target(%dma_start3A_195 : memref<4xi32, #tpu.memory_space<vmem>>) target_semaphore(%run_scoped3A : memref<!tpu.dma_semaphore, #tpu.memory_space<semaphore_mem>>)
          %dma_wait3A_198 = arith.constant 8 : i32
          %dma_wait3A_199 = tpu.memref_slice %arg17[%dma_wait3A_198] : memref<16xi32, #tpu.memory_space<vmem>> -> memref<4xi32, #tpu.memory_space<vmem>>
          %dma_wait3A_200 = arith.constant 96 : i32
          %dma_wait3A_201 = tpu.memref_slice %arg3[%dma_wait3A_200] : memref<100xi32, #tpu.memory_space<hbm>> -> memref<4xi32, #tpu.memory_space<hbm>>
          %dma_wait3A_202 = arith.constant 8 : i32
          %dma_wait3A_203 = tpu.memref_slice %arg17[%dma_wait3A_202] : memref<16xi32, #tpu.memory_space<vmem>> -> memref<4xi32, #tpu.memory_space<vmem>>
          %dma_wait3A_204 = arith.constant 96 : i32
          %dma_wait3A_205 = tpu.memref_slice %arg3[%dma_wait3A_204] : memref<100xi32, #tpu.memory_space<hbm>> -> memref<4xi32, #tpu.memory_space<hbm>>
          tpu.wait_dma2 semaphore(%run_scoped3A : memref<!tpu.dma_semaphore, #tpu.memory_space<semaphore_mem>>) src(%dma_wait3A_205 : memref<4xi32, #tpu.memory_space<hbm>>) dst(%dma_wait3A_203 : memref<4xi32, #tpu.memory_space<vmem>>)
          tpu.yield
        }) : () -> ()
        %get3A = arith.constant 0 : index
        %get3A_179 = tpu.vector_load %arg17[%get3A] {strides = array<i32>} : memref<16xi32, #tpu.memory_space<vmem>>, vector<16xi32>,
        %get3A_180 = vector.shape_cast %get3A_179 : vector<16xi32> to vector<16xi32>
        %lt3A_181 = arith.constant 12 : i32
        %lt3A_182 = vector.broadcast %lt3A_181 : i32 to vector<16xi32>
        %lt3A_183 = arith.cmpi slt, %iota3A_129, %lt3A_182 : vector<16xi32>
        %jit3A_184 = arith.constant 0 : i32
        %broadcast_in_dim3A = vector.broadcast %jit3A_184 : i32 to vector<16xi32>
        %select_n3A_185 = arith.select %lt3A_183, %get3A_180, %broadcast_in_dim3A : vector<16xi1>, vector<16xi32>
        %swap3A_186 = arith.constant 0 : index
        %swap3A_187 = tpu.vector_load %arg17[%swap3A_186] {strides = array<i32>} : memref<16xi32, #tpu.memory_space<vmem>>, vector<16xi32>,
        %swap3A_188 = vector.shape_cast %swap3A_187 : vector<16xi32> to vector<16xi32>
        %swap3A_189 = vector.shape_cast %select_n3A_185 : vector<16xi32> to vector<16xi32>
        tpu.vector_store %arg17[%swap3A_186], %swap3A_189 {strides = array<i32>} : memref<16xi32, #tpu.memory_space<vmem>>, vector<16xi32>,
      } else {
      }
      "tpu.region"() ({
        %run_scoped3A = tpu.sem_alloc : memref<!tpu.dma_semaphore, #tpu.memory_space<semaphore_mem>>
        %dma_start3A_179 = tpu.memref_slice %arg10[%select_n3A] : memref<112xi32, #tpu.memory_space<hbm>> -> memref<16xi32, #tpu.memory_space<hbm>>
        %dma_start3A_180 = tpu.memref_slice %arg10[%select_n3A] : memref<112xi32, #tpu.memory_space<hbm>> -> memref<16xi32, #tpu.memory_space<hbm>>
        tpu.enqueue_dma source(%arg17 : memref<16xi32, #tpu.memory_space<vmem>>) target(%dma_start3A_180 : memref<16xi32, #tpu.memory_space<hbm>>) target_semaphore(%run_scoped3A : memref<!tpu.dma_semaphore, #tpu.memory_space<semaphore_mem>>)
        %dma_wait3A_181 = tpu.memref_slice %arg10[%select_n3A] : memref<112xi32, #tpu.memory_space<hbm>> -> memref<16xi32, #tpu.memory_space<hbm>>
        %dma_wait3A_182 = tpu.memref_slice %arg10[%select_n3A] : memref<112xi32, #tpu.memory_space<hbm>> -> memref<16xi32, #tpu.memory_space<hbm>>
        tpu.wait_dma2 semaphore(%run_scoped3A : memref<!tpu.dma_semaphore, #tpu.memory_space<semaphore_mem>>) src(%arg17 : memref<16xi32, #tpu.memory_space<vmem>>) dst(%dma_wait3A_182 : memref<16xi32, #tpu.memory_space<hbm>>)
        tpu.yield
      }) : () -> ()
      %dma_start3A_173 = arith.constant 0 : i32
      %dma_start3A_174 = arith.constant 0 : i32
      %dma_start3A_175 = tpu.memref_slice %arg5[%dma_start3A_173, %dma_start3A_174] : memref<100000x128xf32, #tpu.memory_space<hbm>> -> memref<100000x128xf32, #tpu.memory_space<hbm>>
      tpu.enqueue_indirect_dma source(%dma_start3A_175 : memref<100000x128xf32, #tpu.memory_space<hbm>>) target(%arg18 : memref<16x128xf32, #tpu.memory_space<vmem>>) offsets(%arg17 : memref<16xi32, #tpu.memory_space<vmem>>) semaphore(%arg24 : memref<!tpu.dma_semaphore, #tpu.memory_space<semaphore_mem>>)
      %dma_wait3A_176 = arith.constant 0 : i32
      %dma_wait3A_177 = arith.constant 0 : i32
      %dma_wait3A_178 = tpu.memref_slice %arg5[%dma_wait3A_176, %dma_wait3A_177] : memref<100000x128xf32, #tpu.memory_space<hbm>> -> memref<100000x128xf32, #tpu.memory_space<hbm>>
      tpu.wait_indirect_dma semaphore(%arg24 : memref<!tpu.dma_semaphore, #tpu.memory_space<semaphore_mem>>) src(%dma_wait3A_178 : memref<100000x128xf32, #tpu.memory_space<hbm>>) dst(%arg18 : memref<16x128xf32, #tpu.memory_space<vmem>>)
      "tpu.region"() ({
        %run_scoped3A = tpu.sem_alloc : memref<!tpu.dma_semaphore, #tpu.memory_space<semaphore_mem>>
        %dma_start3A_179 = arith.constant 0 : i32
        %dma_start3A_180 = tpu.memref_slice %arg8[%select_n3A, %dma_start3A_179] : memref<112x128xf32, #tpu.memory_space<hbm>> -> memref<16x128xf32, #tpu.memory_space<hbm>>
        %dma_start3A_181 = arith.constant 0 : i32
        %dma_start3A_182 = tpu.memref_slice %arg8[%select_n3A, %dma_start3A_181] : memref<112x128xf32, #tpu.memory_space<hbm>> -> memref<16x128xf32, #tpu.memory_space<hbm>>
        tpu.enqueue_dma source(%arg18 : memref<16x128xf32, #tpu.memory_space<vmem>>) target(%dma_start3A_182 : memref<16x128xf32, #tpu.memory_space<hbm>>) target_semaphore(%run_scoped3A : memref<!tpu.dma_semaphore, #tpu.memory_space<semaphore_mem>>)
        %dma_wait3A_183 = arith.constant 0 : i32
        %dma_wait3A_184 = tpu.memref_slice %arg8[%select_n3A, %dma_wait3A_183] : memref<112x128xf32, #tpu.memory_space<hbm>> -> memref<16x128xf32, #tpu.memory_space<hbm>>
        %dma_wait3A_185 = arith.constant 0 : i32
        %dma_wait3A_186 = tpu.memref_slice %arg8[%select_n3A, %dma_wait3A_185] : memref<112x128xf32, #tpu.memory_space<hbm>> -> memref<16x128xf32, #tpu.memory_space<hbm>>
        tpu.wait_dma2 semaphore(%run_scoped3A : memref<!tpu.dma_semaphore, #tpu.memory_space<semaphore_mem>>) src(%arg18 : memref<16x128xf32, #tpu.memory_space<vmem>>) dst(%dma_wait3A_186 : memref<16x128xf32, #tpu.memory_space<hbm>>)
        tpu.yield
      }) : () -> ()
    } else {
    }
    %barrier3A = arith.constant 0 : index
    tpu.barrier barrier_id(%barrier3A)
    %dma_start3A_138 = arith.constant 0 : i32
    %dma_start3A_139 = tpu.memref_slice %arg15[%dma_start3A_138] : memref<144xf32, #tpu.memory_space<vmem>> -> memref<128xf32, #tpu.memory_space<vmem>>
    %dma_start3A_140 = arith.constant 0 : i32
    %dma_start3A_141 = tpu.memref_slice %arg20[%dma_start3A_140] : memref<100000xf32, #tpu.memory_space<vmem_shared>> -> memref<100000xf32, #tpu.memory_space<vmem_shared>>
    tpu.enqueue_indirect_dma source(%dma_start3A_141 : memref<100000xf32, #tpu.memory_space<vmem_shared>>) target(%dma_start3A_139 : memref<128xf32, #tpu.memory_space<vmem>>) offsets(%arg11 : memref<128xi32, #tpu.memory_space<vmem>>) semaphore(%arg22 : memref<!tpu.dma_semaphore, #tpu.memory_space<semaphore_mem>>)
    %convert_element_type3A_142 = arith.extui %lt3A_130 : i1 to i32
    %cond3A_143 = arith.constant 0 : i32
    %cond3A_144 = arith.cmpi ne, %convert_element_type3A_142, %cond3A_143 : i32
    scf.if %cond3A_144 {
      %mul3A_163 = arith.constant 16 : i32
      %mul3A_164 = arith.muli %add3A, %mul3A_163 : i32
      %dma_start3A_165 = arith.constant 0 : i32
      %dma_start3A_166 = tpu.memref_slice %arg20[%dma_start3A_165] : memref<100000xf32, #tpu.memory_space<vmem_shared>> -> memref<100000xf32, #tpu.memory_space<vmem_shared>>
      tpu.enqueue_indirect_dma source(%dma_start3A_166 : memref<100000xf32, #tpu.memory_space<vmem_shared>>) target(%arg19 : memref<16xf32, #tpu.memory_space<vmem>>) offsets(%arg17 : memref<16xi32, #tpu.memory_space<vmem>>) semaphore(%arg24 : memref<!tpu.dma_semaphore, #tpu.memory_space<semaphore_mem>>)
      %dma_wait3A_167 = arith.constant 0 : i32
      %dma_wait3A_168 = tpu.memref_slice %arg20[%dma_wait3A_167] : memref<100000xf32, #tpu.memory_space<vmem_shared>> -> memref<100000xf32, #tpu.memory_space<vmem_shared>>
      tpu.wait_indirect_dma semaphore(%arg24 : memref<!tpu.dma_semaphore, #tpu.memory_space<semaphore_mem>>) src(%dma_wait3A_168 : memref<100000xf32, #tpu.memory_space<vmem_shared>>) dst(%arg19 : memref<16xf32, #tpu.memory_space<vmem>>)
      "tpu.region"() ({
        %run_scoped3A = tpu.sem_alloc : memref<!tpu.dma_semaphore, #tpu.memory_space<semaphore_mem>>
        %dma_start3A_169 = tpu.memref_slice %arg9[%mul3A_164] : memref<112xf32, #tpu.memory_space<hbm>> -> memref<16xf32, #tpu.memory_space<hbm>>
        %dma_start3A_170 = tpu.memref_slice %arg9[%mul3A_164] : memref<112xf32, #tpu.memory_space<hbm>> -> memref<16xf32, #tpu.memory_space<hbm>>
        tpu.enqueue_dma source(%arg19 : memref<16xf32, #tpu.memory_space<vmem>>) target(%dma_start3A_170 : memref<16xf32, #tpu.memory_space<hbm>>) target_semaphore(%run_scoped3A : memref<!tpu.dma_semaphore, #tpu.memory_space<semaphore_mem>>)
        %dma_wait3A_171 = tpu.memref_slice %arg9[%mul3A_164] : memref<112xf32, #tpu.memory_space<hbm>> -> memref<16xf32, #tpu.memory_space<hbm>>
        %dma_wait3A_172 = tpu.memref_slice %arg9[%mul3A_164] : memref<112xf32, #tpu.memory_space<hbm>> -> memref<16xf32, #tpu.memory_space<hbm>>
        tpu.wait_dma2 semaphore(%run_scoped3A : memref<!tpu.dma_semaphore, #tpu.memory_space<semaphore_mem>>) src(%arg19 : memref<16xf32, #tpu.memory_space<vmem>>) dst(%dma_wait3A_172 : memref<16xf32, #tpu.memory_space<hbm>>)
        tpu.yield
      }) : () -> ()
    } else {
    }
    %dma_wait3A = arith.constant 0 : i32
    %dma_wait3A_145 = arith.constant 0 : i32
    %dma_wait3A_146 = tpu.memref_slice %arg4[%dma_wait3A, %dma_wait3A_145] : memref<4096x128xf32, #tpu.memory_space<hbm>> -> memref<4096x128xf32, #tpu.memory_space<hbm>>
    tpu.wait_indirect_dma semaphore(%arg23 : memref<!tpu.dma_semaphore, #tpu.memory_space<semaphore_mem>>) src(%dma_wait3A_146 : memref<4096x128xf32, #tpu.memory_space<hbm>>) dst(%arg13 : memref<128x128xf32, #tpu.memory_space<vmem>>)
    %dma_wait3A_147 = arith.constant 0 : i32
    %dma_wait3A_148 = tpu.memref_slice %arg15[%dma_wait3A_147] : memref<144xf32, #tpu.memory_space<vmem>> -> memref<128xf32, #tpu.memory_space<vmem>>
    %dma_wait3A_149 = arith.constant 0 : i32
    %dma_wait3A_150 = tpu.memref_slice %arg20[%dma_wait3A_149] : memref<100000xf32, #tpu.memory_space<vmem_shared>> -> memref<100000xf32, #tpu.memory_space<vmem_shared>>
    tpu.wait_indirect_dma semaphore(%arg22 : memref<!tpu.dma_semaphore, #tpu.memory_space<semaphore_mem>>) src(%dma_wait3A_150 : memref<100000xf32, #tpu.memory_space<vmem_shared>>) dst(%dma_wait3A_148 : memref<128xf32, #tpu.memory_space<vmem>>)
    %iota3A_151 = tpu.iota {dimensions = array<i32: 0>} : vector<16xi32>
    %eq3A_152 = arith.constant 0 : i32
    %eq3A_153 = vector.broadcast %eq3A_152 : i32 to vector<16xi32>
    %eq3A_154 = arith.cmpi eq, %iota3A_151, %eq3A_153 : vector<16xi32>
    %scan3A = arith.constant 0 : i32
    %scan3A_155 = arith.constant 0 : i32
    %scan3A_156 = arith.constant 4 : i32
    %scan3A_157 = arith.addi %scan3A_155, %scan3A_156 : i32
    %scan3A_158 = arith.constant 1 : i32
    %scan3A_159 = scf.for %scan3A_163 = %scan3A_155 to %scan3A_157 step %scan3A_158 iter_args(%scan3A_164 = %scan3A) -> (i32)  : i32 {
      %and3A = arith.constant 1 : i32
      %and3A_165 = arith.andi %scan3A_163, %and3A : i32
      %dma_wait3A_166 = arith.constant 0 : i32
      %dma_wait3A_167 = arith.constant 0 : i32
      %dma_wait3A_168 = tpu.memref_slice %arg14[%and3A_165, %dma_wait3A_166, %dma_wait3A_167] : memref<2x32x128xf32, #tpu.memory_space<vmem>> -> memref<1x32x128xf32, #tpu.memory_space<vmem>>
      %dma_wait3A_169 = tpu.memref_squeeze %dma_wait3A_168 : memref<1x32x128xf32, #tpu.memory_space<vmem>> -> memref<32x128xf32, #tpu.memory_space<vmem>>
      %dma_wait3A_170 = arith.constant 0 : i32
      %dma_wait3A_171 = arith.constant 0 : i32
      %dma_wait3A_172 = tpu.memref_slice %arg5[%dma_wait3A_170, %dma_wait3A_171] : memref<100000x128xf32, #tpu.memory_space<hbm>> -> memref<32x128xf32, #tpu.memory_space<hbm>>
      %dma_wait3A_173 = arith.constant 0 : i32
      %dma_wait3A_174 = arith.constant 0 : i32
      %dma_wait3A_175 = tpu.memref_slice %arg14[%and3A_165, %dma_wait3A_173, %dma_wait3A_174] : memref<2x32x128xf32, #tpu.memory_space<vmem>> -> memref<1x32x128xf32, #tpu.memory_space<vmem>>
      %dma_wait3A_176 = tpu.memref_squeeze %dma_wait3A_175 : memref<1x32x128xf32, #tpu.memory_space<vmem>> -> memref<32x128xf32, #tpu.memory_space<vmem>>
      %dma_wait3A_177 = arith.constant 0 : i32
      %dma_wait3A_178 = arith.constant 0 : i32
      %dma_wait3A_179 = tpu.memref_slice %arg5[%dma_wait3A_177, %dma_wait3A_178] : memref<100000x128xf32, #tpu.memory_space<hbm>> -> memref<32x128xf32, #tpu.memory_space<hbm>>
      tpu.wait_dma2 semaphore(%arg21 : memref<!tpu.dma_semaphore, #tpu.memory_space<semaphore_mem>>) src(%dma_wait3A_179 : memref<32x128xf32, #tpu.memory_space<hbm>>) dst(%dma_wait3A_176 : memref<32x128xf32, #tpu.memory_space<vmem>>)
      %parallel_loop3A = arith.constant 0 : i32
      %parallel_loop3A_180 = arith.constant 32 : i32
      %parallel_loop3A_181 = arith.constant 1 : i32
      scf.for %parallel_loop3A_190 = %parallel_loop3A to %parallel_loop3A_180 step %parallel_loop3A_181  : i32 {
        %parallel_loop3A_191 = arith.constant 32 : i32
        %parallel_loop3A_192 = arith.muli %scan3A_163, %parallel_loop3A_191 : i32
        %parallel_loop3A_193 = arith.addi %parallel_loop3A_192, %parallel_loop3A_190 : i32
        %parallel_loop3A_194 = arith.index_cast %and3A_165 : i32 to index
        %parallel_loop3A_195 = arith.index_cast %parallel_loop3A_190 : i32 to index
        %parallel_loop3A_196 = arith.constant 0 : index
        %parallel_loop3A_197 = tpu.vector_load %arg14[%parallel_loop3A_194, %parallel_loop3A_195, %parallel_loop3A_196] {strides = array<i32>} : memref<2x32x128xf32, #tpu.memory_space<vmem>>, vector<1x1x16xf32>,
        %parallel_loop3A_198 = vector.shape_cast %parallel_loop3A_197 : vector<1x1x16xf32> to vector<16xf32>
        %parallel_loop3A_199 = arith.index_cast %parallel_loop3A_193 : i32 to index
        %parallel_loop3A_200 = arith.constant 0 : index
        %parallel_loop3A_201 = tpu.vector_load %arg13[%parallel_loop3A_199, %parallel_loop3A_200] {strides = array<i32>} : memref<128x128xf32, #tpu.memory_space<vmem>>, vector<1x16xf32>,
        %parallel_loop3A_202 = vector.shape_cast %parallel_loop3A_201 : vector<1x16xf32> to vector<16xf32>
        %parallel_loop3A_203 = arith.mulf %parallel_loop3A_198, %parallel_loop3A_202 : vector<16xf32>
        %parallel_loop3A_204 = arith.index_cast %and3A_165 : i32 to index
        %parallel_loop3A_205 = arith.index_cast %parallel_loop3A_190 : i32 to index
        %parallel_loop3A_206 = arith.constant 16 : index
        %parallel_loop3A_207 = tpu.vector_load %arg14[%parallel_loop3A_204, %parallel_loop3A_205, %parallel_loop3A_206] {strides = array<i32>} : memref<2x32x128xf32, #tpu.memory_space<vmem>>, vector<1x1x16xf32>,
        %parallel_loop3A_208 = vector.shape_cast %parallel_loop3A_207 : vector<1x1x16xf32> to vector<16xf32>
        %parallel_loop3A_209 = arith.index_cast %parallel_loop3A_193 : i32 to index
        %parallel_loop3A_210 = arith.constant 16 : index
        %parallel_loop3A_211 = tpu.vector_load %arg13[%parallel_loop3A_209, %parallel_loop3A_210] {strides = array<i32>} : memref<128x128xf32, #tpu.memory_space<vmem>>, vector<1x16xf32>,
        %parallel_loop3A_212 = vector.shape_cast %parallel_loop3A_211 : vector<1x16xf32> to vector<16xf32>
        %parallel_loop3A_213 = arith.mulf %parallel_loop3A_208, %parallel_loop3A_212 : vector<16xf32>
        %parallel_loop3A_214 = arith.addf %parallel_loop3A_203, %parallel_loop3A_213 : vector<16xf32>
        %parallel_loop3A_215 = arith.index_cast %and3A_165 : i32 to index
        %parallel_loop3A_216 = arith.index_cast %parallel_loop3A_190 : i32 to index
        %parallel_loop3A_217 = arith.constant 32 : index
        %parallel_loop3A_218 = tpu.vector_load %arg14[%parallel_loop3A_215, %parallel_loop3A_216, %parallel_loop3A_217] {strides = array<i32>} : memref<2x32x128xf32, #tpu.memory_space<vmem>>, vector<1x1x16xf32>,
        %parallel_loop3A_219 = vector.shape_cast %parallel_loop3A_218 : vector<1x1x16xf32> to vector<16xf32>
        %parallel_loop3A_220 = arith.index_cast %parallel_loop3A_193 : i32 to index
        %parallel_loop3A_221 = arith.constant 32 : index
        %parallel_loop3A_222 = tpu.vector_load %arg13[%parallel_loop3A_220, %parallel_loop3A_221] {strides = array<i32>} : memref<128x128xf32, #tpu.memory_space<vmem>>, vector<1x16xf32>,
        %parallel_loop3A_223 = vector.shape_cast %parallel_loop3A_222 : vector<1x16xf32> to vector<16xf32>
        %parallel_loop3A_224 = arith.mulf %parallel_loop3A_219, %parallel_loop3A_223 : vector<16xf32>
        %parallel_loop3A_225 = arith.addf %parallel_loop3A_214, %parallel_loop3A_224 : vector<16xf32>
        %parallel_loop3A_226 = arith.index_cast %and3A_165 : i32 to index
        %parallel_loop3A_227 = arith.index_cast %parallel_loop3A_190 : i32 to index
        %parallel_loop3A_228 = arith.constant 48 : index
        %parallel_loop3A_229 = tpu.vector_load %arg14[%parallel_loop3A_226, %parallel_loop3A_227, %parallel_loop3A_228] {strides = array<i32>} : memref<2x32x128xf32, #tpu.memory_space<vmem>>, vector<1x1x16xf32>,
        %parallel_loop3A_230 = vector.shape_cast %parallel_loop3A_229 : vector<1x1x16xf32> to vector<16xf32>
        %parallel_loop3A_231 = arith.index_cast %parallel_loop3A_193 : i32 to index
        %parallel_loop3A_232 = arith.constant 48 : index
        %parallel_loop3A_233 = tpu.vector_load %arg13[%parallel_loop3A_231, %parallel_loop3A_232] {strides = array<i32>} : memref<128x128xf32, #tpu.memory_space<vmem>>, vector<1x16xf32>,
        %parallel_loop3A_234 = vector.shape_cast %parallel_loop3A_233 : vector<1x16xf32> to vector<16xf32>
        %parallel_loop3A_235 = arith.mulf %parallel_loop3A_230, %parallel_loop3A_234 : vector<16xf32>
        %parallel_loop3A_236 = arith.addf %parallel_loop3A_225, %parallel_loop3A_235 : vector<16xf32>
        %parallel_loop3A_237 = arith.index_cast %and3A_165 : i32 to index
        %parallel_loop3A_238 = arith.index_cast %parallel_loop3A_190 : i32 to index
        %parallel_loop3A_239 = arith.constant 64 : index
        %parallel_loop3A_240 = tpu.vector_load %arg14[%parallel_loop3A_237, %parallel_loop3A_238, %parallel_loop3A_239] {strides = array<i32>} : memref<2x32x128xf32, #tpu.memory_space<vmem>>, vector<1x1x16xf32>,
        %parallel_loop3A_241 = vector.shape_cast %parallel_loop3A_240 : vector<1x1x16xf32> to vector<16xf32>
        %parallel_loop3A_242 = arith.index_cast %parallel_loop3A_193 : i32 to index
        %parallel_loop3A_243 = arith.constant 64 : index
        %parallel_loop3A_244 = tpu.vector_load %arg13[%parallel_loop3A_242, %parallel_loop3A_243] {strides = array<i32>} : memref<128x128xf32, #tpu.memory_space<vmem>>, vector<1x16xf32>,
        %parallel_loop3A_245 = vector.shape_cast %parallel_loop3A_244 : vector<1x16xf32> to vector<16xf32>
        %parallel_loop3A_246 = arith.mulf %parallel_loop3A_241, %parallel_loop3A_245 : vector<16xf32>
        %parallel_loop3A_247 = arith.addf %parallel_loop3A_236, %parallel_loop3A_246 : vector<16xf32>
        %parallel_loop3A_248 = arith.index_cast %and3A_165 : i32 to index
        %parallel_loop3A_249 = arith.index_cast %parallel_loop3A_190 : i32 to index
        %parallel_loop3A_250 = arith.constant 80 : index
        %parallel_loop3A_251 = tpu.vector_load %arg14[%parallel_loop3A_248, %parallel_loop3A_249, %parallel_loop3A_250] {strides = array<i32>} : memref<2x32x128xf32, #tpu.memory_space<vmem>>, vector<1x1x16xf32>,
        %parallel_loop3A_252 = vector.shape_cast %parallel_loop3A_251 : vector<1x1x16xf32> to vector<16xf32>
        %parallel_loop3A_253 = arith.index_cast %parallel_loop3A_193 : i32 to index
        %parallel_loop3A_254 = arith.constant 80 : index
        %parallel_loop3A_255 = tpu.vector_load %arg13[%parallel_loop3A_253, %parallel_loop3A_254] {strides = array<i32>} : memref<128x128xf32, #tpu.memory_space<vmem>>, vector<1x16xf32>,
        %parallel_loop3A_256 = vector.shape_cast %parallel_loop3A_255 : vector<1x16xf32> to vector<16xf32>
        %parallel_loop3A_257 = arith.mulf %parallel_loop3A_252, %parallel_loop3A_256 : vector<16xf32>
        %parallel_loop3A_258 = arith.addf %parallel_loop3A_247, %parallel_loop3A_257 : vector<16xf32>
        %parallel_loop3A_259 = arith.index_cast %and3A_165 : i32 to index
        %parallel_loop3A_260 = arith.index_cast %parallel_loop3A_190 : i32 to index
        %parallel_loop3A_261 = arith.constant 96 : index
        %parallel_loop3A_262 = tpu.vector_load %arg14[%parallel_loop3A_259, %parallel_loop3A_260, %parallel_loop3A_261] {strides = array<i32>} : memref<2x32x128xf32, #tpu.memory_space<vmem>>, vector<1x1x16xf32>,
        %parallel_loop3A_263 = vector.shape_cast %parallel_loop3A_262 : vector<1x1x16xf32> to vector<16xf32>
        %parallel_loop3A_264 = arith.index_cast %parallel_loop3A_193 : i32 to index
        %parallel_loop3A_265 = arith.constant 96 : index
        %parallel_loop3A_266 = tpu.vector_load %arg13[%parallel_loop3A_264, %parallel_loop3A_265] {strides = array<i32>} : memref<128x128xf32, #tpu.memory_space<vmem>>, vector<1x16xf32>,
        %parallel_loop3A_267 = vector.shape_cast %parallel_loop3A_266 : vector<1x16xf32> to vector<16xf32>
        %parallel_loop3A_268 = arith.mulf %parallel_loop3A_263, %parallel_loop3A_267 : vector<16xf32>
        %parallel_loop3A_269 = arith.addf %parallel_loop3A_258, %parallel_loop3A_268 : vector<16xf32>
        %parallel_loop3A_270 = arith.index_cast %and3A_165 : i32 to index
        %parallel_loop3A_271 = arith.index_cast %parallel_loop3A_190 : i32 to index
        %parallel_loop3A_272 = arith.constant 112 : index
        %parallel_loop3A_273 = tpu.vector_load %arg14[%parallel_loop3A_270, %parallel_loop3A_271, %parallel_loop3A_272] {strides = array<i32>} : memref<2x32x128xf32, #tpu.memory_space<vmem>>, vector<1x1x16xf32>,
        %parallel_loop3A_274 = vector.shape_cast %parallel_loop3A_273 : vector<1x1x16xf32> to vector<16xf32>
        %parallel_loop3A_275 = arith.index_cast %parallel_loop3A_193 : i32 to index
        %parallel_loop3A_276 = arith.constant 112 : index
        %parallel_loop3A_277 = tpu.vector_load %arg13[%parallel_loop3A_275, %parallel_loop3A_276] {strides = array<i32>} : memref<128x128xf32, #tpu.memory_space<vmem>>, vector<1x16xf32>,
        %parallel_loop3A_278 = vector.shape_cast %parallel_loop3A_277 : vector<1x16xf32> to vector<16xf32>
        %parallel_loop3A_279 = arith.mulf %parallel_loop3A_274, %parallel_loop3A_278 : vector<16xf32>
        %parallel_loop3A_280 = arith.addf %parallel_loop3A_269, %parallel_loop3A_279 : vector<16xf32>
        %parallel_loop3A_281 = arith.index_cast %parallel_loop3A_193 : i32 to index
        %parallel_loop3A_282 = tpu.vector_load %arg15[%parallel_loop3A_281] {strides = array<i32>} : memref<144xf32, #tpu.memory_space<vmem>>, vector<16xf32>,
        %parallel_loop3A_283 = vector.shape_cast %parallel_loop3A_282 : vector<16xf32> to vector<16xf32>
        %parallel_loop3A_284 = arith.constant 0.000000e+00 : f32
        %parallel_loop3A_285 = vector.broadcast %parallel_loop3A_284 : f32 to vector<16xf32>
        %parallel_loop3A_286 = arith.select %eq3A_154, %parallel_loop3A_283, %parallel_loop3A_285 : vector<16xi1>, vector<16xf32>
        %parallel_loop3A_287 = arith.addf %parallel_loop3A_280, %parallel_loop3A_286 : vector<16xf32>
        %parallel_loop3A_288 = arith.constant 3 : i32
        %parallel_loop3A_289 = arith.shrsi %parallel_loop3A_193, %parallel_loop3A_288 : i32
        %parallel_loop3A_290 = arith.constant 7 : i32
        %parallel_loop3A_291 = arith.andi %parallel_loop3A_193, %parallel_loop3A_290 : i32
        %parallel_loop3A_292 = arith.constant 16 : i32
        %parallel_loop3A_293 = arith.muli %parallel_loop3A_291, %parallel_loop3A_292 : i32
        %parallel_loop3A_294 = arith.index_cast %parallel_loop3A_289 : i32 to index
        %parallel_loop3A_295 = arith.index_cast %parallel_loop3A_293 : i32 to index
        %parallel_loop3A_296 = tpu.vector_load %arg16[%parallel_loop3A_294, %parallel_loop3A_295] {strides = array<i32>} : memref<16x128xf32, #tpu.memory_space<vmem>>, vector<1x16xf32>,
        %parallel_loop3A_297 = vector.shape_cast %parallel_loop3A_296 : vector<1x16xf32> to vector<16xf32>
        %parallel_loop3A_298 = vector.shape_cast %parallel_loop3A_287 : vector<16xf32> to vector<1x16xf32>
        tpu.vector_store %arg16[%parallel_loop3A_294, %parallel_loop3A_295], %parallel_loop3A_298 {strides = array<i32>} : memref<16x128xf32, #tpu.memory_space<vmem>>, vector<1x16xf32>,
      } {sc.loop_unroll_factor = 8 : i64, sc.parallel_access}
      %add3A_182 = arith.constant 2 : i32
      %add3A_183 = arith.addi %scan3A_163, %add3A_182 : i32
      %lt3A_184 = arith.constant 4 : i32
      %lt3A_185 = arith.cmpi slt, %add3A_183, %lt3A_184 : i32
      %convert_element_type3A_186 = arith.extui %lt3A_185 : i1 to i32
      %cond3A_187 = arith.constant 0 : i32
      %cond3A_188 = arith.cmpi ne, %convert_element_type3A_186, %cond3A_187 : i32
      scf.if %cond3A_188 {
        %add3A_190 = arith.constant 2 : i32
        %add3A_191 = arith.addi %scan3A_163, %add3A_190 : i32
        %mul3A_192 = arith.constant 32 : i32
        %mul3A_193 = arith.muli %add3A_191, %mul3A_192 : i32
        %dma_start3A_194 = arith.constant 0 : i32
        %dma_start3A_195 = arith.constant 0 : i32
        %dma_start3A_196 = tpu.memref_slice %arg14[%and3A_165, %dma_start3A_194, %dma_start3A_195] : memref<2x32x128xf32, #tpu.memory_space<vmem>> -> memref<1x32x128xf32, #tpu.memory_space<vmem>>
        %dma_start3A_197 = tpu.memref_squeeze %dma_start3A_196 : memref<1x32x128xf32, #tpu.memory_space<vmem>> -> memref<32x128xf32, #tpu.memory_space<vmem>>
        %dma_start3A_198 = tpu.memref_slice %arg11[%mul3A_193] : memref<128xi32, #tpu.memory_space<vmem>> -> memref<32xi32, #tpu.memory_space<vmem>>
        %dma_start3A_199 = arith.constant 0 : i32
        %dma_start3A_200 = arith.constant 0 : i32
        %dma_start3A_201 = tpu.memref_slice %arg5[%dma_start3A_199, %dma_start3A_200] : memref<100000x128xf32, #tpu.memory_space<hbm>> -> memref<100000x128xf32, #tpu.memory_space<hbm>>
        tpu.enqueue_indirect_dma source(%dma_start3A_201 : memref<100000x128xf32, #tpu.memory_space<hbm>>) target(%dma_start3A_197 : memref<32x128xf32, #tpu.memory_space<vmem>>) offsets(%dma_start3A_198 : memref<32xi32, #tpu.memory_space<vmem>>) semaphore(%arg21 : memref<!tpu.dma_semaphore, #tpu.memory_space<semaphore_mem>>)
      } else {
      }
      %scan3A_189 = arith.constant 0 : i32
      scf.yield %scan3A_189 : i32
    }
    %scan3A_160 = arith.constant 4 : i32
    %mul3A_161 = arith.constant 16 : i32
    %mul3A_162 = arith.muli %add3A, %mul3A_161 : i32
    "tpu.region"() ({
      %run_scoped3A = tpu.sem_alloc : memref<!tpu.dma_semaphore, #tpu.memory_space<semaphore_mem>>
      %dma_start3A_163 = arith.constant 0 : i32
      %dma_start3A_164 = tpu.memref_slice %arg7[%mul3A_162, %dma_start3A_163] : memref<512x128xf32, #tpu.memory_space<hbm>> -> memref<16x128xf32, #tpu.memory_space<hbm>>
      %dma_start3A_165 = arith.constant 0 : i32
      %dma_start3A_166 = tpu.memref_slice %arg7[%mul3A_162, %dma_start3A_165] : memref<512x128xf32, #tpu.memory_space<hbm>> -> memref<16x128xf32, #tpu.memory_space<hbm>>
      tpu.enqueue_dma source(%arg16 : memref<16x128xf32, #tpu.memory_space<vmem>>) target(%dma_start3A_166 : memref<16x128xf32, #tpu.memory_space<hbm>>) target_semaphore(%run_scoped3A : memref<!tpu.dma_semaphore, #tpu.memory_space<semaphore_mem>>)
      %dma_wait3A_167 = arith.constant 0 : i32
      %dma_wait3A_168 = tpu.memref_slice %arg7[%mul3A_162, %dma_wait3A_167] : memref<512x128xf32, #tpu.memory_space<hbm>> -> memref<16x128xf32, #tpu.memory_space<hbm>>
      %dma_wait3A_169 = arith.constant 0 : i32
      %dma_wait3A_170 = tpu.memref_slice %arg7[%mul3A_162, %dma_wait3A_169] : memref<512x128xf32, #tpu.memory_space<hbm>> -> memref<16x128xf32, #tpu.memory_space<hbm>>
      tpu.wait_dma2 semaphore(%run_scoped3A : memref<!tpu.dma_semaphore, #tpu.memory_space<semaphore_mem>>) src(%arg16 : memref<16x128xf32, #tpu.memory_space<vmem>>) dst(%dma_wait3A_170 : memref<16x128xf32, #tpu.memory_space<hbm>>)
      tpu.yield
    }) : () -> ()
    return
  }
}

module attributes {stable_mosaic.version = 14 : i64} {
  func.func @_tc_loss_body(%arg0: i32, %arg1: memref<2048x128xf32, #tpu.memory_space<vmem>>, %arg2: memref<256x128xf32, #tpu.memory_space<vmem>>, %arg3: memref<256x8xi32, #tpu.memory_space<vmem>>, %arg4: memref<112x128xf32, #tpu.memory_space<vmem>>, %arg5: memref<1x112xf32, #tpu.memory_space<vmem>>, %arg6: memref<1x112xi32, #tpu.memory_space<vmem>>, %arg7: memref<1x1xf32, #tpu.memory_space<smem>>) attributes {dimension_semantics = [#tpu.dimension_semantics<arbitrary>], iteration_bounds = array<i64: 2>, scalar_prefetch = 0 : i64, scratch_operands = 0 : i64, tpu.core_type = #tpu.core_type<tc>, window_params = [{transform_indices = @transform_0, window_bounds = array<i64: 2048, 128>}, {transform_indices = @transform_1, window_bounds = array<i64: 256, 128>}, {transform_indices = @transform_2, window_bounds = array<i64: 256, 8>}, {pipeline_mode = #tpu.pipeline_mode<synchronous>, transform_indices = @transform_3, window_bounds = array<i64: 112, 128>}, {pipeline_mode = #tpu.pipeline_mode<synchronous>, transform_indices = @transform_4, window_bounds = array<i64: 1, 112>}, {pipeline_mode = #tpu.pipeline_mode<synchronous>, transform_indices = @transform_5, window_bounds = array<i64: 1, 112>}, {transform_indices = @transform_6, window_bounds = array<i64: 1, 1>}]} {
    %eq3A = arith.constant 0 : i32
    %eq3A_0 = arith.cmpi eq, %arg0, %eq3A : i32
    %convert_element_type3A = arith.extui %eq3A_0 : i1 to i32
    %cond3A = arith.constant 0 : i32
    %cond3A_1 = arith.cmpi ne, %convert_element_type3A, %cond3A : i32
    scf.if %cond3A_1 {
      %swap3A_105 = arith.constant 0.000000e+00 : f32
      %swap3A_106 = arith.constant 0 : index
      %swap3A_107 = arith.constant 0 : index
      %swap3A_108 = memref.load %arg7[%swap3A_106, %swap3A_107] : memref<1x1xf32, #tpu.memory_space<smem>>
      memref.store %swap3A_105, %arg7[%swap3A_106, %swap3A_107] : memref<1x1xf32, #tpu.memory_space<smem>>
    } else {
    }
    %iota3A = tpu.iota {dimensions = array<i32: 0>} : vector<128x8xi32>
    %shift_right_arithmetic3A = arith.constant 4 : i32
    %shift_right_arithmetic3A_2 = vector.broadcast %shift_right_arithmetic3A : i32 to vector<128x8xi32>
    %shift_right_arithmetic3A_3 = arith.shrsi %iota3A, %shift_right_arithmetic3A_2 : vector<128x8xi32>
    %iota3A_4 = tpu.iota {dimensions = array<i32: 1>} : vector<128x8xi32>
    %eq3A_5 = arith.cmpi eq, %shift_right_arithmetic3A_3, %iota3A_4 : vector<128x8xi32>
    %jit3A = arith.constant 1.000000e+00 : f32
    %jit3A_6 = arith.constant 0.000000e+00 : f32
    %broadcast_in_dim3A = vector.broadcast %jit3A : f32 to vector<128x8xf32>
    %broadcast_in_dim3A_7 = vector.broadcast %jit3A_6 : f32 to vector<128x8xf32>
    %select_n3A = arith.select %eq3A_5, %broadcast_in_dim3A, %broadcast_in_dim3A_7 : vector<128x8xi1>, vector<128x8xf32>
    %get3A = arith.constant 0 : index
    %get3A_8 = arith.constant 0 : index
    %get3A_9 = vector.load %arg2[%get3A, %get3A_8] : memref<256x128xf32, #tpu.memory_space<vmem>>, vector<256x128xf32>
    %dot_general3A = arith.constant dense<0.000000e+00> : vector<256x8xf32>
    %dot_general3A_10 = tpu.matmul %get3A_9, %select_n3A, %dot_general3A {dimension_numbers = #tpu.dot_dimension_numbers<[1], [0], [0], [1], [0, 0, 1, 1], [], []>, transpose_lhs_hint = false} : vector<256x128xf32>, vector<128x8xf32>, vector<256x8xf32> -> vector<256x8xf32>
    %get3A_11 = arith.constant 0 : index
    %get3A_12 = arith.constant 0 : index
    %get3A_13 = vector.load %arg3[%get3A_11, %get3A_12] : memref<256x8xi32, #tpu.memory_space<vmem>>, vector<256x8xi32>
    %convert_element_type3A_14 = arith.sitofp %get3A_13 : vector<256x8xi32> to vector<256x8xf32>
    %sub3A = arith.constant 11.5129251 : f32
    %sub3A_15 = vector.broadcast %sub3A : f32 to vector<256x8xf32>
    %sub3A_16 = arith.subf %dot_general3A_10, %sub3A_15 : vector<256x8xf32>
    %add3A = arith.constant 1.000000e+00 : f32
    %add3A_17 = vector.broadcast %add3A : f32 to vector<256x8xf32>
    %add3A_18 = arith.addf %convert_element_type3A_14, %add3A_17 : vector<256x8xf32>
    %log3A = math.log %add3A_18 : vector<256x8xf32>
    %sub3A_19 = arith.constant 22.3327141 : f32
    %sub3A_20 = vector.broadcast %sub3A_19 : f32 to vector<256x8xf32>
    %sub3A_21 = arith.subf %log3A, %sub3A_20 : vector<256x8xf32>
    %sub3A_22 = arith.subf %sub3A_16, %sub3A_21 : vector<256x8xf32>
    %sub3A_23 = arith.constant 4.60517025 : f32
    %sub3A_24 = vector.broadcast %sub3A_23 : f32 to vector<256x8xf32>
    %sub3A_25 = arith.subf %sub3A_22, %sub3A_24 : vector<256x8xf32>
    %neg3A = arith.constant 0.000000e+00 : f32
    %neg3A_26 = vector.broadcast %neg3A : f32 to vector<256x8xf32>
    %neg3A_27 = arith.subf %neg3A_26, %sub3A_25 : vector<256x8xf32>
    %max3A = arith.constant 0.000000e+00 : f32
    %max3A_28 = vector.broadcast %max3A : f32 to vector<256x8xf32>
    %max3A_29 = arith.maximumf %neg3A_27, %max3A_28 : vector<256x8xf32>
    %abs3A = math.absf %sub3A_25 : vector<256x8xf32>
    %neg3A_30 = arith.constant 0.000000e+00 : f32
    %neg3A_31 = vector.broadcast %neg3A_30 : f32 to vector<256x8xf32>
    %neg3A_32 = arith.subf %neg3A_31, %abs3A : vector<256x8xf32>
    %exp3A = math.exp %neg3A_32 : vector<256x8xf32>
    %add3A_33 = arith.constant 1.000000e+00 : f32
    %add3A_34 = vector.broadcast %add3A_33 : f32 to vector<256x8xf32>
    %add3A_35 = arith.addf %add3A_34, %exp3A : vector<256x8xf32>
    %log3A_36 = math.log %add3A_35 : vector<256x8xf32>
    %add3A_37 = arith.addf %max3A_29, %log3A_36 : vector<256x8xf32>
    %reduce_sum3A = vector.shape_cast %add3A_37 : vector<256x8xf32> to vector<1x256x8xf32>
    %reduce_sum3A_38 = arith.constant dense<0.000000e+00> : vector<1xf32>
    %reduce_sum3A_39 = vector.multi_reduction <add>, %reduce_sum3A, %reduce_sum3A_38 [1, 2] : vector<1x256x8xf32> to vector<1xf32>
    %reduce_sum3A_40 = vector.shape_cast %reduce_sum3A_39 : vector<1xf32> to vector<1x1x1xf32>
    %reduce_sum3A_41 = vector.extract %reduce_sum3A_40[0, 0, 0] : f32 from vector<1x1x1xf32>
    %get3A_42 = arith.constant 0 : index
    %get3A_43 = arith.constant 0 : index
    %get3A_44 = vector.load %arg6[%get3A_42, %get3A_43] : memref<1x112xi32, #tpu.memory_space<vmem>>, vector<1x112xi32>
    %convert_element_type3A_45 = arith.sitofp %get3A_44 : vector<1x112xi32> to vector<1x112xf32>
    %get3A_46 = arith.constant 0 : index
    %get3A_47 = arith.constant 0 : index
    %get3A_48 = vector.load %arg5[%get3A_46, %get3A_47] : memref<1x112xf32, #tpu.memory_space<vmem>>, vector<1x112xf32>
    %sub3A_49 = arith.constant 11.5129251 : f32
    %sub3A_50 = vector.broadcast %sub3A_49 : f32 to vector<1x112xf32>
    %sub3A_51 = arith.subf %get3A_48, %sub3A_50 : vector<1x112xf32>
    %add3A_52 = arith.constant 1.000000e+00 : f32
    %add3A_53 = vector.broadcast %add3A_52 : f32 to vector<1x112xf32>
    %add3A_54 = arith.addf %convert_element_type3A_45, %add3A_53 : vector<1x112xf32>
    %log3A_55 = math.log %add3A_54 : vector<1x112xf32>
    %sub3A_56 = arith.constant 22.3327141 : f32
    %sub3A_57 = vector.broadcast %sub3A_56 : f32 to vector<1x112xf32>
    %sub3A_58 = arith.subf %log3A_55, %sub3A_57 : vector<1x112xf32>
    %sub3A_59 = arith.subf %sub3A_51, %sub3A_58 : vector<1x112xf32>
    %sub3A_60 = arith.constant 4.60517025 : f32
    %sub3A_61 = vector.broadcast %sub3A_60 : f32 to vector<1x112xf32>
    %sub3A_62 = arith.subf %sub3A_59, %sub3A_61 : vector<1x112xf32>
    %get3A_63 = arith.constant 0 : index
    %get3A_64 = arith.constant 0 : index
    %get3A_65 = vector.load %arg1[%get3A_63, %get3A_64] : memref<2048x128xf32, #tpu.memory_space<vmem>>, vector<2048x128xf32>
    %get3A_66 = arith.constant 0 : index
    %get3A_67 = arith.constant 0 : index
    %get3A_68 = vector.load %arg4[%get3A_66, %get3A_67] : memref<112x128xf32, #tpu.memory_space<vmem>>, vector<112x128xf32>
    %dot_general3A_69 = arith.constant dense<0.000000e+00> : vector<2048x112xf32>
    %dot_general3A_70 = tpu.matmul %get3A_65, %get3A_68, %dot_general3A_69 {dimension_numbers = #tpu.dot_dimension_numbers<[1], [1], [0], [0], [0, 0, 1, 0], [], []>, transpose_lhs_hint = false} : vector<2048x128xf32>, vector<112x128xf32>, vector<2048x112xf32> -> vector<2048x112xf32>
    %add3A_71 = vector.broadcast %sub3A_62 : vector<1x112xf32> to vector<2048x112xf32>
    %add3A_72 = arith.addf %dot_general3A_70, %add3A_71 : vector<2048x112xf32>
    %max3A_73 = arith.constant 0.000000e+00 : f32
    %max3A_74 = vector.broadcast %max3A_73 : f32 to vector<2048x112xf32>
    %max3A_75 = arith.maximumf %add3A_72, %max3A_74 : vector<2048x112xf32>
    %abs3A_76 = math.absf %add3A_72 : vector<2048x112xf32>
    %neg3A_77 = arith.constant 0.000000e+00 : f32
    %neg3A_78 = vector.broadcast %neg3A_77 : f32 to vector<2048x112xf32>
    %neg3A_79 = arith.subf %neg3A_78, %abs3A_76 : vector<2048x112xf32>
    %exp3A_80 = math.exp %neg3A_79 : vector<2048x112xf32>
    %add3A_81 = arith.constant 1.000000e+00 : f32
    %add3A_82 = vector.broadcast %add3A_81 : f32 to vector<2048x112xf32>
    %add3A_83 = arith.addf %add3A_82, %exp3A_80 : vector<2048x112xf32>
    %log3A_84 = math.log %add3A_83 : vector<2048x112xf32>
    %add3A_85 = arith.addf %max3A_75, %log3A_84 : vector<2048x112xf32>
    %iota3A_86 = tpu.iota {dimensions = array<i32: 1>} : vector<2048x112xi32>
    %lt3A = arith.constant 100 : i32
    %lt3A_87 = vector.broadcast %lt3A : i32 to vector<2048x112xi32>
    %lt3A_88 = arith.cmpi slt, %iota3A_86, %lt3A_87 : vector<2048x112xi32>
    %jit3A_89 = arith.constant 0.000000e+00 : f32
    %broadcast_in_dim3A_90 = vector.broadcast %jit3A_89 : f32 to vector<2048x112xf32>
    %select_n3A_91 = arith.select %lt3A_88, %add3A_85, %broadcast_in_dim3A_90 : vector<2048x112xi1>, vector<2048x112xf32>
    %reduce_sum3A_92 = vector.shape_cast %select_n3A_91 : vector<2048x112xf32> to vector<1x2048x112xf32>
    %reduce_sum3A_93 = arith.constant dense<0.000000e+00> : vector<1xf32>
    %reduce_sum3A_94 = vector.multi_reduction <add>, %reduce_sum3A_92, %reduce_sum3A_93 [1, 2] : vector<1x2048x112xf32> to vector<1xf32>
    %reduce_sum3A_95 = vector.shape_cast %reduce_sum3A_94 : vector<1xf32> to vector<1x1x1xf32>
    %reduce_sum3A_96 = vector.extract %reduce_sum3A_95[0, 0, 0] : f32 from vector<1x1x1xf32>
    %get3A_97 = arith.constant 0 : index
    %get3A_98 = arith.constant 0 : index
    %get3A_99 = memref.load %arg7[%get3A_97, %get3A_98] : memref<1x1xf32, #tpu.memory_space<smem>>
    %add3A_100 = arith.addf %reduce_sum3A_41, %reduce_sum3A_96 : f32
    %mul3A = arith.constant 2.44140625E-4 : f32
    %mul3A_101 = arith.mulf %add3A_100, %mul3A : f32
    %add3A_102 = arith.addf %get3A_99, %mul3A_101 : f32
    %swap3A = arith.constant 0 : index
    %swap3A_103 = arith.constant 0 : index
    %swap3A_104 = memref.load %arg7[%swap3A, %swap3A_103] : memref<1x1xf32, #tpu.memory_space<smem>>
    memref.store %add3A_102, %arg7[%swap3A, %swap3A_103] : memref<1x1xf32, #tpu.memory_space<smem>>
    return
  }
  func.func @transform_0(%arg0: i32) -> (i32, i32) {
    %c0_i32 = arith.constant 0 : i32
    %c0_i32_0 = arith.constant 0 : i32
    return %arg0, %c0_i32 : i32, i32
  }
  func.func @transform_1(%arg0: i32) -> (i32, i32) {
    %c0_i32 = arith.constant 0 : i32
    %c0_i32_0 = arith.constant 0 : i32
    return %arg0, %c0_i32 : i32, i32
  }
  func.func @transform_2(%arg0: i32) -> (i32, i32) {
    %c0_i32 = arith.constant 0 : i32
    %c0_i32_0 = arith.constant 0 : i32
    return %arg0, %c0_i32 : i32, i32
  }
  func.func @transform_3(%arg0: i32) -> (i32, i32) {
    %c0_i32 = arith.constant 0 : i32
    %c0_i32_0 = arith.constant 0 : i32
    %c0_i32_1 = arith.constant 0 : i32
    return %c0_i32, %c0_i32_0 : i32, i32
  }
  func.func @transform_4(%arg0: i32) -> (i32, i32) {
    %c0_i32 = arith.constant 0 : i32
    %c0_i32_0 = arith.constant 0 : i32
    %c0_i32_1 = arith.constant 0 : i32
    return %c0_i32, %c0_i32_0 : i32, i32
  }
  func.func @transform_5(%arg0: i32) -> (i32, i32) {
    %c0_i32 = arith.constant 0 : i32
    %c0_i32_0 = arith.constant 0 : i32
    %c0_i32_1 = arith.constant 0 : i32
    return %c0_i32, %c0_i32_0 : i32, i32
  }
  func.func @transform_6(%arg0: i32) -> (i32, i32) {
    %c0_i32 = arith.constant 0 : i32
    %c0_i32_0 = arith.constant 0 : i32
    %c0_i32_1 = arith.constant 0 : i32
    return %c0_i32, %c0_i32_0 : i32, i32
  }
}

</mosaic_0001>

<sc_bundles>
// kernel: kernel.4.cloned.1.call-start
scs
__scs_entry_jumppad:
0x0: {  	(pc) =	sbr.rel $0x88, $3  }
0x1: {  	(tag) =	ssettag $0x0;
	lr =	simm.s32 $0x1  }
0x2: {  	[smem:$0x3F9C] =	sst lr;
	_ =	strace $0xD0000000  }
0x3: {  	_ = 	snop  }
0x4: {  	_ = 	snop  }
0x5: {  	_ = 	snop  }
0x6: {  	_ = 	snop  }
0x7: {  	_ = 	snop  }
__scs_overlays_trampoline_lowered:
0x8: {  	[smem:$0x3FAB] =	sst s0  }
0x9: {  	[smem:$0x3FAC] =	sst s1  }
0xa: {  	[smem:$0x3FAD] =	sst s2  }
0xb: {  	[smem:$0x3FAE] =	sst s3  }
0xc: {  	[smem:$0x3FAF] =	sst s4  }
0xd: {  	[smem:$0x3FB0] =	sst s5  }
0xe: {  	[smem:$0x3FB1] =	sst s6  }
0xf: {  	[smem:$0x3FB2] =	sst s7  }
0x10: {  	[smem:$0x3FB3] =	sst s8  }
0x11: {  	[smem:$0x3FB4] =	sst s9;
	s0 =	simm.s32 @!p0 $0x0  }
0x12: {  	s1 =	sld [smem:$0x3F9A];
	s0 =	simm.s32 @p0 $0x1  }
0x13: {  	[smem:$0x3FB5] =	sst s0;
	s0 =	simm.s32 @!p1 $0x0  }
0x14: {  	s2 =	sld [smem:$0x3F99];
	s0 =	simm.s32 @p1 $0x1  }
0x15: {  	[smem:$0x3FB6] =	sst s0;
	s0 =	simm.s32 @!p2 $0x0  }
0x16: {  	s3 =	sld [smem:$0x3FDB];
	s0 =	simm.s32 @p2 $0x1  }
0x17: {  	s4 =	simm.s32 $0x1BF5;
	[smem:$0x3FB8] =	sst s0  }
0x18: {  	s0 =	sld [smem:$0x3F9B];
	_ =	swait.ge [sflag:s4], $0x0  }
0x19: {  	s7 =	sld [smem:$0x3F9C]  }
0x1a: {  	s8 =	sadd.s32 $0xFFFFE003, lr  }
0x1b: {  	s9 =	sadd.s32 $0xFFFFFEF7, lr;
	s5 =	simm.s32 $0xFFFFFFFF;
	p2 =	slt.u32 s8, $0xFFFFF086  }
0x1c: {  	p1 =	slt.u32 s9, $0xF7A;
	s5 =	simm.s32 @!p2 $0x0  }
0x1d: {  	s5 =	simm.s32 @p1 $0x1;
	p0 =	seq.s32 s7, s2  }
0x1e: {  	s7 =	smul.u32 @!p0 $0xF7A, s2;
	p2 =	seq.s32 @!p0 s5, $0x0  }
0x1f: {  	s9 =	smul.u32 $0xF7A, s1;
	s8 =	simm.s32 @!p0 $0x1BF5;
	p2 =	por !p2, p0  }
0x20: {  	[sflag:s8] =	ssyncset.s32 @!p0 $0xFFFFF086;
	s6 =	sadd.s32 @!p0 s3, s7;
	s7 =	simm.s32 @!p0 $0x108  }
0x21: {  	s3 =	sadd.s32 s3, s9;
	s6 =	sadd.s32 @!p0 $0x88, s6;
	s7 =	simm.s32 @p2 $0x1082  }
0x22: {  	[simem:s7], [sflag:s8] =	dma.local @!p0 [hbm:s6], $0xF7A  }
0x23: {  	s9 =	sor.u32 $0xD0000000, s2;
	s6 =	simm.s32 $0x108;
	_ =	swait.ge @!p0 [sflag:s8], $0x0  }
0x24: {  	s3 =	sadd.s32 $0x88, s3;
	s6 =	simm.s32 @!p1 $0x1082;
	[sflag:s4] =	ssyncset.s32 $0xFFFFF086  }
0x25: {  	[simem:s6], [sflag:s4] =	dma.local [hbm:s3], $0xF7A  }
0x26: {  	[smem:$0x3F9C] =	sst s1;
	(tag) =	ssettag s2;
	_ =	strace s9  }
0x27: {  	s1 =	sld [smem:$0x3FAC]  }
0x28: {  	s2 =	sld [smem:$0x3FAD]  }
0x29: {  	s4 =	sld [smem:$0x3FAF]  }
0x2a: {  	p0 =	seq.s32 s5, $0x0;
	s5 =	sld [smem:$0x3FB0]  }
0x2b: {  	s6 =	sld [smem:$0x3FB1]  }
0x2c: {  	s7 =	sld [smem:$0x3FB2]  }
0x2d: {  	s3 =	simm.s32 $0x108;
	s8 =	sld [smem:$0x3FB3]  }
0x2e: {  	s3 =	simm.s32 @!p0 $0x1082;
	s9 =	sld [smem:$0x3FB4]  }
0x2f: {  	lr =	sadd.s32 s0, s3;
	s0 =	sld [smem:$0x3FAB]  }
0x30: {  	s3 =	sld [smem:$0x3FAE]  }
0x31: {  	[smem:$0x3FB7] =	sst s10  }
0x32: {  	s10 =	sld [smem:$0x3FB5];
	_ =	sdelay $0x3  }
0x33: {  	p0 =	seq.s32 s10, $0x1;
	s10 =	sld [smem:$0x3FB7];
	_ =	sdelay $0x3  }
0x34: {  	[smem:$0x3FB7] =	sst s10  }
0x35: {  	s10 =	sld [smem:$0x3FB6];
	_ =	sdelay $0x3  }
0x36: {  	p1 =	seq.s32 s10, $0x1;
	s10 =	sld [smem:$0x3FB7];
	_ =	sdelay $0x3  }
0x37: {  	[smem:$0x3FB7] =	sst s10  }
0x38: {  	s10 =	sld [smem:$0x3FB8]  }
0x39: {  	_ = 	snop;
	(pc) =	sbr.ind lr, $3  }
0x3a: {  	_ = 	snop  }
0x3b: {  	_ = 	snop  }
0x3c: {  	p2 =	seq.s32 s10, $0x1;
	s10 =	sld [smem:$0x3FB7]  }
0x3d: {  	_ =	shalt  }
0x3e: {  	_ =	shalt  }
0x3f: {  	_ =	shalt  }
0x40: {  	_ =	shalt  }
0x41: {  	_ =	shalt  }
0x42: {  	_ =	shalt  }
0x43: {  	_ =	shalt  }
0x44: {  	_ =	shalt  }
0x45: {  	_ =	shalt  }
0x46: {  	_ =	shalt  }
0x47: {  	_ =	shalt  }
0x48: {  	_ =	shalt  }
0x49: {  	_ =	shalt  }
0x4a: {  	_ =	shalt  }
0x4b: {  	_ =	shalt  }
0x4c: {  	_ =	shalt  }
0x4d: {  	_ =	shalt  }
0x4e: {  	_ =	shalt  }
0x4f: {  	_ =	shalt  }
0x50: {  	_ =	shalt  }
0x51: {  	_ =	shalt  }
0x52: {  	_ =	shalt  }
0x53: {  	_ =	shalt  }
0x54: {  	_ =	shalt  }
0x55: {  	_ =	shalt  }
0x56: {  	_ =	shalt  }
0x57: {  	_ =	shalt  }
0x58: {  	_ =	shalt  }
0x59: {  	_ =	shalt  }
0x5a: {  	_ =	shalt  }
0x5b: {  	_ =	shalt  }
0x5c: {  	_ =	shalt  }
0x5d: {  	_ =	shalt  }
0x5e: {  	_ =	shalt  }
0x5f: {  	_ =	shalt  }
0x60: {  	_ =	shalt  }
0x61: {  	_ =	shalt  }
0x62: {  	_ =	shalt  }
0x63: {  	_ =	shalt  }
0x64: {  	_ =	shalt  }
0x65: {  	_ =	shalt  }
0x66: {  	_ =	shalt  }
0x67: {  	_ =	shalt  }
0x68: {  	_ =	shalt  }
0x69: {  	_ =	shalt  }
0x6a: {  	_ =	shalt  }
0x6b: {  	_ =	shalt  }
0x6c: {  	_ =	shalt  }
0x6d: {  	_ =	shalt  }
0x6e: {  	_ =	shalt  }
0x6f: {  	_ =	shalt  }
0x70: {  	_ =	shalt  }
0x71: {  	_ =	shalt  }
0x72: {  	_ =	shalt  }
0x73: {  	_ =	shalt  }
0x74: {  	_ =	shalt  }
0x75: {  	_ =	shalt  }
0x76: {  	_ =	shalt  }
0x77: {  	_ =	shalt  }
0x78: {  	_ =	shalt  }
0x79: {  	_ =	shalt  }
0x7a: {  	_ =	shalt  }
0x7b: {  	_ =	shalt  }
0x7c: {  	_ =	shalt  }
0x7d: {  	_ =	shalt  }
0x7e: {  	_ =	shalt  }
0x7f: {  	_ =	shalt  }
0x80: {  	_ =	shalt  }
0x81: {  	_ =	shalt  }
0x82: {  	_ =	shalt  }
0x83: {  	_ =	shalt  }
0x84: {  	_ =	shalt  }
0x85: {  	_ =	shalt  }
0x86: {  	_ =	shalt  }
0x87: {  	_ =	shalt  }
.Lfunc_end0:
.L_simem_size_0:
called_computation_lowered:
.L_overlay_start_0:
0x88: {  	s2 =	sld [smem:$0x3FD9]  }
0x89: {  	s3 =	sld [smem:$0x3FFE];
	_ =	sdelay $0x1  }
0x8a: {  	s1 =	srdreg.scid  }
0x8b: {  	s0 =	sand.u32 $0x1, s1  }
0x8c: {  	s17 =	sshll.u32 s0, $0xA;
	s2 =	sadd.s32 s3, s2  }
0x8d: {  	s2 =	sadd.s32 s2, s17  }
0x8e: {  	[smem:$0x3FC3] =	sst s2  }
0x8f: {  	_ = 	snop  }
0x90: {  	s2 =	sld [smem:$0x3FC9]  }
0x91: {  	s18 =	sld [smem:$0x3FC8]  }
0x92: {  	s4 =	sld [smem:$0x3FC7]  }
0x93: {  	s5 =	sld [smem:$0x3FC6]  }
0x94: {  	s6 =	sld [smem:$0x3FD0];
	(tm) =	ssettm $0x1  }
0x95: {  	s7 =	sld [smem:$0x3FFB];
	_ =	sdelay $0x3  }
0x96: {  	_ =	strace s7  }
0x97: {  	s7 =	sld [smem:$0x3FFC];
	_ =	sdelay $0x3  }
0x98: {  	_ =	strace s7  }
0x99: {  	s7 =	sld [smem:$0x3FFD];
	_ =	sdelay $0x3  }
0x9a: {  	_ =	strace s7  }
0x9b: {  	_ =	strace $0x8FFFFFFF  }
0x9c: {  	s19 =	sld [smem:$0x3FDB];
	_ =	sdelay $0x1  }
0x9d: {  	s8 =	simm.s32 $_scs_section_size  }
0x9e: {  	s9 =	simm.s32 $_size__tile_overlayer_lowered;
	s10 =	simm.s32 $_tile_overlayer_lowered  }
0x9f: {  	s22 =	simm.s32 $0x1BFF;
	s21 =	sshll.u32 s10, $0x1;
	s7 =	sadd.s32 s8, s19  }
0xa0: {  	s11 =	simm.s32 $0x0;
	s20 =	sshll.u32 s9, $0x1;
	s9 =	sadd.s32 s21, s7  }
0xa1: {  	[timem:s11], [sflag:s22] =	dma.local [hbm:s9], s20  }
0xa2: {  	_ =	swait.ge [sflag:s22], s20  }
0xa3: {  	s8 =	ssub.s32 $0x0, s20;
	[sflag:s22] =	ssyncset.done $0x0  }
0xa4: {  	[sflag:s22] =	ssyncadd.s32 s8;
	_ =	sdelay $0x1  }
0xa5: {  	s23 =	simm.s32 $0x1B8B  }
0xa6: {  	_ =	swait.ge [sflag:s23], $0x1  }
0xa7: {  	[sflag:s23] =	ssyncset.done $0x0  }
0xa8: {  	s25 =	simm.s32 $0x1B8E;
	s24 =	sld [smem:$0x3FFE];
	[sflag:s23] =	ssyncadd.s32 $0xFFFFFFFF  }
0xa9: {  	s26 =	simm.s32 $execute0_lowered;
	[smem:$0x3FD2] =	sst s25  }
0xaa: {  	s9 =	sshll.u32 s26, $0x1;
	_ =	strace $0x80000046;
	[dreg:$0x1] =	wrdreg $0xFFFFFFFF  }
0xab: {  	s28 =	simm.s32 $_size_execute0_lowered;
	s7 =	sadd.s32 s7, s9;
	[dreg:$0x0] =	wrdreg $0x0  }
0xac: {  	s9 =	sshll.u32 s28, $0x1;
	[dreg:$0x2] =	wrdreg s7  }
0xad: {  	[dreg:$0x3] =	wrdreg s9  }
0xae: {  	[dreg:$0x4] =	wrdreg $0xC0  }
0xaf: {  	_ =	task [dreg:s11], $0x5FFFF  }
0xb0: {  	[dreg:$0x1] =	wrdreg $0xFFFFFFFF  }
0xb1: {  	[dreg:$0x0] =	wrdreg $0x60  }
0xb2: {  	[dreg:$0x2] =	wrdreg s2  }
0xb3: {  	[dreg:$0x3] =	wrdreg s4  }
0xb4: {  	[dreg:$0x4] =	wrdreg s18  }
0xb5: {  	[dreg:$0x5] =	wrdreg s5  }
0xb6: {  	[dreg:$0x6] =	wrdreg s24  }
0xb7: {  	[dreg:$0x7] =	wrdreg s6  }
0xb8: {  	[dreg:$0x8] =	wrdreg $0x73000  }
0xb9: {  	[dreg:$0x9] =	wrdreg $0x9  }
0xba: {  	_ =	task.clear_ibuf [dreg:s11], $0xAFFFF;
	_ =	strace $0x90000046  }
0xbb: {  	s29 =	simm.s32 $0x9;
	_ =	strace $0x80000048  }
0xbc: {  	_ =	swait.ge [sflag:s29], $0x1  }
0xbd: {  	[sflag:s29] =	ssyncadd.s32 $0xFFFFFFFF  }
0xbe: {  	_ =	strace $0x90000048  }
0xbf: {  	_ =	sfence  }
0xc0: {  	s30 =	sld [smem:$0x0];
	_ =	sdelay $0x2  }
0xc1: {  	s31 =	sshll.u32 s1, $0xD;
	s1 =	sshrl.u32 s1, $0x2  }
0xc2: {  	s3 =	sand.u32 $0x4000, s31;
	s1 =	sadd.s32 s1, s30  }
0xc3: {  	s0 =	sor.u32 s3, s0;
	s1 =	sshll.u32 s1, $0x11  }
0xc4: {  	s0 =	sor.u32 s1, s0  }
0xc5: {  	s0 =	sadd.s32 $0x8F2B, s0  }
0xc6: {  	[sflag:s0] =	ssyncadd.remote.s32 $0x1  }
0xc7: {  	_ =	sfence.sel $0xFFFF  }
0xc8: {  	[dreg:$0x0] =	wrdreg $0xFFFFFFFF;
	(pc) =	sbr.abs _section_cstart, $3  }
0xc9: {  	[dreg:$0x1] =	wrdreg $0xFFFFFFFF  }
0xca: {  	_ =	task.clear_ibuf [dreg:s11], $0x2FFFF;
	_ =	strace $0x9FFFFFFF  }
0xcb: {  	(tm) =	ssettm $0x7FFFFFFF  }
tec
execute0_lowered:
.L_overlay_start_1:
0x0: {  	(tag) =	ssettag $0x1  }
0x1: {  	s0 =	rddreg [dreg:$0x0]  }
0x2: {  	s1 =	rddreg [dreg:$0x1]  }
0x3: {  	s2 =	rddreg [dreg:$0x3]  }
0x4: {  	s3 =	rddreg [dreg:$0x4]  }
0x5: {  	s13 =	rddreg [dreg:$0x5]  }
0x6: {  	s5 =	srdreg.scid;
	s18 =	stileid.u32  }
0x7: {  	s4 =	rddreg [dreg:$0x6];
	s19 =	simm.s32 $0x5;
	s20 =	simm.s32 $0x20  }
0x8: {  	s23 =	simm.s32 $0x3;
	s24 =	simm.s32 $0x2;
	s25 =	simm.s32 $0x1  }
0x9: {  	s26 =	simm.s32 $0x6200;
	s28 =	simm.s32 $0x0;
	s7 =	sand.u32 $0x1, s5  }
0xa: {  	v0 =	vlaneseq.u32;
	s6 =	sshll.u32 s18, $0x1;
	s5 =	simm.s32 $0x0;
	p0 =	slt.u32 s18, $0x3  }
0xb: {  	v7 =	vmul.u32 $0x20, v0;
	s17 =	sor.u32 s7, s6;
	[smem:$0x7FF] =	sst s5;
	s6 =	sadd.s32 $0x1000, s3  }
0xc: {  	s7 =	ssub.s32 $0x2, s7;
	s8 =	sshll.u32 s17, $0x4;
	_ =	strace $0x80000047  }
0xd: {  	s10 =	sshll.u32 s17, $0x8;
	s31 =	sshrl.u32 s7, $0x1;
	s16 =	sshll.u32 s17, $0x1;
	v0 =	vor.u32 s17, v7;
	v1 =	vor.u32 $0x200, v7  }
0xe: {  	p1 =	sgt.u32 s17, $0x6;
	v2 =	vor.u32 $0x400, v7;
	s9 =	smov.u32 s8;
	s14 =	sadd.s32 s10, s3;
	[tilespmem:$0x1FF80] =	vst v0;
	v57 =	vor.u32 s17, v1  }
0xf: {  	v3 =	vor.u32 $0x600, v7;
	s15 =	ssub.s32 s7, s31;
	s7 =	sadd.s32 s0, s8;
	s8 =	sadd.s32 s1, s16;
	v58 =	vor.u32 s17, v2;
	[tilespmem:$0x1FF90] =	vst v57  }
0x10: {  	v4 =	vor.u32 $0x800, v7;
	s10 =	sadd.s32 $0xC, s1;
	s13 =	sadd.s32 s13, s16;
	v59 =	vor.u32 s17, v3;
	p2 =	sgt.u32 @!p1 s18, $0x2;
	[tilespmem:$0x1FFA0] =	vst v58  }
0x11: {  	v5 =	vor.u32 $0xA00, v7;
	v60 =	vor.u32 s17, v4;
	p3 =	sne.s32 @!p1 s17, $0x6;
	s9 =	simm.s32 @!p0 $0x58;
	s14 =	sadd.s32 $0x4200, s14;
	[tilespmem:$0x1FFB0] =	vst v59  }
0x12: {  	v6 =	vor.u32 $0xC00, v7;
	v61 =	vor.u32 s17, v5;
	p0 =	sne.s32 s18, $0xF;
	s15 =	smax.u32 s15, $0x1;
	[tilespmem:$0x1FFC0] =	vst v60;
	p2 =	por p2, p1  }
0x13: {  	v7 =	vor.u32 $0xE00, v7;
	v62 =	vor.u32 s17, v6;
	[tilespmem:$0x1FFD0] =	vst v61;
	p3 =	por p3, p1;
	s30 =	sshll.u32 s9, $0x4;
	s9 =	sshrl.u32 s9, $0x3  }
0x14: {  	v63 =	vor.u32 s17, v7;
	[tilespmem:$0x1FFE0] =	vst v62;
	s16 =	sshrl.u32 @!p0 s4, $0x3;
	s12 =	sadd.s32 s30, s3;
	s3 =	sadd.s32 s9, s3  }
0x15: {  	vm1 =	vmmov $0x1;
	[tilespmem:$0x1FFF0] =	vst v63;
	vm0 =	vmmov @!p3 $0xfff;
	s9 =	sadd.s32 $0xB, s1;
	s11 =	sadd.s32 $0x6A00, s3;
	s12 =	sadd.s32 $0x6200, s12  }
.LBB2_1:
0x16: {  	s0 =	simm.s32 @!p0 $0x1FC5  }
0x17: {  	[spmem:s16], [sflag:s0] =	dma.local @!p0 [hbm:s6], $0x30E0  }
0x18: {  	s0 =	simm.s32 @!p0 $0x5  }
0x19: {  	_ =	swait.ge @!p0 [sflag:s0], $0x30E0  }
0x1a: {  	v0 =	vld [tilespmem:$0x1FF80]  }
0x1b: {  	v57 =	vld [tilespmem:$0x1FF90]  }
0x1c: {  	v58 =	vld [tilespmem:$0x1FFA0]  }
0x1d: {  	[sflag:s0] =	ssyncset.done @!p0 $0x0;
	v59 =	vld [tilespmem:$0x1FFB0]  }
0x1e: {  	v60 =	vld [tilespmem:$0x1FFC0];
	[sflag:s0] =	ssyncadd.s32 @!p0 $0xFFFFCF20  }
0x1f: {  	v61 =	vld [tilespmem:$0x1FFD0];
	[tilespmem:$0x80] =	vst v0  }
0x20: {  	v62 =	vld [tilespmem:$0x1FFE0];
	[tilespmem:$0x90] =	vst v57  }
0x21: {  	v63 =	vld [tilespmem:$0x1FFF0];
	[tilespmem:$0xA0] =	vst v58  }
0x22: {  	[tilespmem:$0xB0] =	vst v59  }
0x23: {  	[tilespmem:$0xC0] =	vst v60  }
0x24: {  	[tilespmem:$0xD0] =	vst v61  }
0x25: {  	[tilespmem:$0xE0] =	vst v62  }
0x26: {  	s1 =	simm.s32 $0x80;
	s3 =	simm.s32 $0x100;
	s0 =	rddreg [dreg:$0x2];
	[tilespmem:$0xF0] =	vst v63  }
0x27: {  	[tilespmem:s3], [sflag:$0x3] =	stream.indirect.gather [hbm4b:s0+s1], $0x80, s1, s1, $0xb8;
	[tilespmem:$0x8B70] =	vst v63  }
0x28: {  	_ = 	snop  }
0x29: {  	[tilespmem:s5], [sflag:$0x5] =	stream.linear.gather [hbm4b:s7+s5], $0x80, $0x38;
	[tilespmem:$0x8B70] =	vst v63  }
0x2a: {  	_ =	swait.ge [sflag:s19], $0x80  }
0x2b: {  	[sflag:s19] =	ssyncset.done $0x0  }
0x2c: {  	s30 =	simm.s32 $0x4100;
	[sflag:s19] =	ssyncadd.s32 $0xFFFFFF80  }
0x2d: {  	[tilespmem:s30], [sflag:$0x1] =	stream.indirect.gather [hbm4b:s2+s20], $0x80, s5, s20, $0xb8;
	[tilespmem:$0x8B70] =	vst v63  }
0x2e: {  	s31 =	simm.s32 $0x5100;
	s0 =	simm.s32 @p1 $0x80  }
0x2f: {  	[tilespmem:s31], [sflag:$0x1] =	stream.indirect.gather [hbm4b:s2+s20], $0x80, s20, s20, $0xb8;
	[tilespmem:$0x8B70] =	vst v63  }
0x30: {  	s1 =	simm.s32 @p1 $0x0;
	s3 =	simm.s32 @p1 $0x6100;
	[bflag:$0x0] =	sbarrier.arrive @p1 $0xFFFF  }
0x31: {  	[tilespmem:s3], [sflag:$0x2] =	stream.indirect.gather @p1 [spmem:s4], $0x1, s1, s0, $0xb8;
	[tilespmem:$0x8B70] =	vst v63  }
0x32: {  	s0 =	simm.s32 @!p2 $0x0;
	s1 =	simm.s32 @!p2 $0x6A00  }
0x33: {  	[tilespmem:s1], [sflag:$0x5] =	stream.linear.gather @!p2 [hbm4b:s8+s0], $0x10, $0x38;
	[tilespmem:$0x8B70] =	vst v63  }
0x34: {  	s0 =	simm.s32 @!p2 $0x5  }
0x35: {  	_ =	swait.ge @!p2 [sflag:s0], $0x10  }
0x36: {  	[sflag:s0] =	ssyncset.done @!p2 $0x0  }
0x37: {  	s1 =	simm.s32 @!p3 $0x6A00;
	[sflag:s0] =	ssyncadd.s32 @!p2 $0xFFFFFFF0;
	s0 =	simm.s32 @!p3 $0x0  }
0x38: {  	[tilespmem:s1], [sflag:$0x5] =	stream.linear.gather @!p3 [hbm4b:s9+s0], $0x8, $0x38;
	[tilespmem:$0x8B70] =	vst v63  }
0x39: {  	s1 =	simm.s32 @!p3 $0x5  }
0x3a: {  	_ =	swait.ge @!p3 [sflag:s1], $0x8  }
0x3b: {  	[sflag:s1] =	ssyncset.done @!p3 $0x0  }
0x3c: {  	s3 =	simm.s32 @!p3 $0x6A08;
	[sflag:s1] =	ssyncadd.s32 @!p3 $0xFFFFFFF8  }
0x3d: {  	[tilespmem:s3], [sflag:$0x5] =	stream.linear.gather @!p3 [hbm4b:s10+s0], $0x4, $0x38;
	[tilespmem:$0x8B70] =	vst v63  }
0x3e: {  	_ =	swait.ge @!p3 [sflag:s1], $0x4  }
0x3f: {  	[sflag:s1] =	ssyncset.done @!p3 $0x0  }
0x40: {  	[sflag:s1] =	ssyncadd.s32 @!p3 $0xFFFFFFFC  }
0x41: {  	v8 =	vld @!p3 [tilespmem:$0x6A00];
	_ =	sdelay $0x4  }
0x42: {  	v8 =	vnsel @!p3 vm0, $0x0, v8  }
0x43: {  	s0 =	simm.s32 @!p1 $0x0;
	s3 =	simm.s32 @!p1 $0x5;
	s1 =	simm.s32 @!p1 $0x6A00;
	[tilespmem:$0x6A00] =	vst @!p3 v8  }
0x44: {  	[hbm4b:s11+s0] =	stream.linear.scatter @!p1 [tilespmem:s1], [sflag:$0x5], $0x10, $0x38;
	[tilespmem:$0x8B70] =	vst v63  }
0x45: {  	_ =	swait.ge @!p1 [sflag:s3], $0x10  }
0x46: {  	s17 =	simm.s32 @!p1 $0x10;
	[sflag:s3] =	ssyncset.done @!p1 $0x0  }
0x47: {  	s18 =	simm.s32 @!p1 $0x6A80;
	s21 =	simm.s32 @!p1 $0x4;
	[sflag:s3] =	ssyncadd.s32 @!p1 $0xFFFFFFF0  }
0x48: {  	[tilespmem:s18], [sflag:$0x4] =	stream.indirect.gather @!p1 [hbm4b:s2+s17], $0x80, s1, s17, $0xb8;
	[tilespmem:$0x8B70] =	vst v63  }
0x49: {  	_ =	swait.ge @!p1 [sflag:s21], $0x800  }
0x4a: {  	[sflag:s21] =	ssyncset.done @!p1 $0x0  }
0x4b: {  	[sflag:s21] =	ssyncadd.s32 @!p1 $0xFFFFF800  }
0x4c: {  	[hbm4b:s12+s0] =	stream.linear.scatter @!p1 [tilespmem:s18], [sflag:$0x5], $0x800, $0x38;
	[tilespmem:$0x8B70] =	vst v63  }
0x4d: {  	_ =	swait.ge @!p1 [sflag:s3], $0x800  }
0x4e: {  	[sflag:s3] =	ssyncset.done @!p1 $0x0  }
0x4f: {  	[sflag:s3] =	ssyncadd.s32 @!p1 $0xFFFFF800  }
0x50: {  	s22 =	simm.s32 @!p1 $0x6100;
	s18 =	simm.s32 @!p1 $0x80;
	[bflag:$0x0] =	sbarrier.arrive @!p1 $0xFFFF  }
0x51: {  	[tilespmem:s22], [sflag:$0x2] =	stream.indirect.gather @!p1 [spmem:s4], $0x1, s0, s18, $0xb8;
	[tilespmem:$0x8B70] =	vst v63  }
0x52: {  	s18 =	simm.s32 @!p1 $0x7280  }
0x53: {  	[tilespmem:s18], [sflag:$0x4] =	stream.indirect.gather @!p1 [spmem:s4], $0x1, s1, s17, $0xb8;
	[tilespmem:$0x8B70] =	vst v63  }
0x54: {  	_ =	swait.ge @!p1 [sflag:s21], $0x10  }
0x55: {  	[sflag:s21] =	ssyncset.done @!p1 $0x0  }
0x56: {  	[sflag:s21] =	ssyncadd.s32 @!p1 $0xFFFFFFF0  }
0x57: {  	[hbm4b:s13+s0] =	stream.linear.scatter @!p1 [tilespmem:s18], [sflag:$0x5], $0x10, $0x38;
	[tilespmem:$0x8B70] =	vst v63  }
0x58: {  	_ =	swait.ge @!p1 [sflag:s3], $0x10  }
0x59: {  	[sflag:s3] =	ssyncset.done @!p1 $0x0  }
0x5a: {  	[sflag:s3] =	ssyncadd.s32 @!p1 $0xFFFFFFF0  }
0x5b: {  	_ =	swait.ge [sflag:s23], $0x4000  }
0x5c: {  	[sflag:s23] =	ssyncset.done $0x0  }
0x5d: {  	[sflag:s23] =	ssyncadd.s32 $0xFFFFC000  }
0x5e: {  	p4 =	por $0x0, $0x0;
	_ =	swait.ge [sflag:s24], $0x80  }
0x5f: {  	s22 =	simm.s32 $0x6104;
	s21 =	simm.s32 $0x300;
	[sflag:s24] =	ssyncset.done $0x0  }
0x60: {  	s0 =	simm.s32 $0x6240;
	s3 =	simm.s32 $0x0;
	[sflag:s24] =	ssyncadd.s32 $0xFFFFFF80  }
.LBB2_2:
0x61: {  	_ =	swait.ge [sflag:s25], $0x1000  }
0x62: {  	[sflag:s25] =	ssyncset.done $0x0  }
0x63: {  	[sflag:s25] =	ssyncadd.s32 $0xFFFFF000  }
0x64: {  	v9 =	vld [tilespmem:s21+$0x180]  }
0x65: {  	v11 =	vld [tilespmem:s21+$0x190]  }
0x66: {  	v13 =	vld [tilespmem:s21+$0x1A0]  }
0x67: {  	v15 =	vld [tilespmem:s21+$0x1B0]  }
0x68: {  	v17 =	vld [tilespmem:s21+$0x1C0]  }
0x69: {  	s1 =	simm.s32 $0x1;
	v19 =	vld [tilespmem:s21+$0x1D0]  }
0x6a: {  	s1 =	simm.s32 @!p4 $0x0;
	v21 =	vld [tilespmem:s21+$0x1E0]  }
0x6b: {  	s1 =	sshll.u32 s1, $0xC;
	v23 =	vld [tilespmem:s21+$0x1F0]  }
0x6c: {  	s18 =	sor.u32 $0x4300, s1;
	v0 =	vld [tilespmem:s21+$0xFFFFFE00]  }
0x6d: {  	v8 =	vld [tilespmem:s18+$0x180]  }
0x6e: {  	v10 =	vld [tilespmem:s18+$0x190]  }
0x6f: {  	v12 =	vld [tilespmem:s18+$0x1A0]  }
0x70: {  	v14 =	vld [tilespmem:s18+$0x1B0]  }
0x71: {  	v16 =	vld [tilespmem:s18+$0x1C0]  }
0x72: {  	v18 =	vld [tilespmem:s18+$0x1D0]  }
0x73: {  	v20 =	vld [tilespmem:s18+$0x1E0]  }
0x74: {  	v22 =	vld [tilespmem:s18+$0x1F0];
	[tilespmem:$0x1FE20] =	vst v0  }
0x75: {  	v25 =	vld [tilespmem:s18+$0xFFFFFE10]  }
0x76: {  	v26 =	vld [tilespmem:s22+$0x3]  }
0x77: {  	v27 =	vld [tilespmem:s21+$0xFFFFFE10]  }
0x78: {  	v28 =	vld [tilespmem:s18+$0xFFFFFE80]  }
0x79: {  	v29 =	vld [tilespmem:s21+$0xFFFFFE80]  }
0x7a: {  	v30 =	vld [tilespmem:s18+$0xFFFFFE90]  }
0x7b: {  	v31 =	vld [tilespmem:s21+$0xFFFFFE90]  }
0x7c: {  	v32 =	vld [tilespmem:s18+$0xFFFFFF00]  }
0x7d: {  	v33 =	vld [tilespmem:s21+$0xFFFFFF00]  }
0x7e: {  	v34 =	vld [tilespmem:s18+$0xFFFFFF10]  }
0x7f: {  	v35 =	vld [tilespmem:s21+$0xFFFFFF10]  }
0x80: {  	v36 =	vld [tilespmem:s18+$0xFFFFFF80]  }
0x81: {  	v37 =	vld [tilespmem:s21+$0xFFFFFF80]  }
0x82: {  	v38 =	vld [tilespmem:s18+$0xFFFFFF90]  }
0x83: {  	v39 =	vld [tilespmem:s21+$0xFFFFFF90]  }
0x84: {  	v40 =	vld [tilespmem:s18+$0x0]  }
0x85: {  	v41 =	vld [tilespmem:s21+$0x0]  }
0x86: {  	v42 =	vld [tilespmem:s18+$0x10]  }
0x87: {  	v43 =	vld [tilespmem:s21+$0x10]  }
0x88: {  	v44 =	vld [tilespmem:s18+$0x80]  }
0x89: {  	v45 =	vld [tilespmem:s21+$0x80]  }
0x8a: {  	v46 =	vld [tilespmem:s18+$0x90]  }
0x8b: {  	v47 =	vld [tilespmem:s21+$0x90]  }
0x8c: {  	v48 =	vld [tilespmem:s18+$0x100]  }
0x8d: {  	v49 =	vld [tilespmem:s21+$0x100]  }
0x8e: {  	v50 =	vld [tilespmem:s18+$0x110]  }
0x8f: {  	v51 =	vld [tilespmem:s21+$0x110]  }
0x90: {  	v52 =	vld [tilespmem:s18+$0xFFFFFE00]  }
0x91: {  	v53 =	vld [tilespmem:s18+$0xFFFFFE20]  }
0x92: {  	v54 =	vld [tilespmem:s21+$0xFFFFFE20]  }
0x93: {  	v55 =	vld [tilespmem:s18+$0xFFFFFEA0]  }
0x94: {  	v56 =	vld [tilespmem:s21+$0xFFFFFEA0]  }
0x95: {  	v57 =	vld [tilespmem:s18+$0xFFFFFF20]  }
0x96: {  	v58 =	vld [tilespmem:s21+$0xFFFFFF20]  }
0x97: {  	v59 =	vld [tilespmem:s18+$0xFFFFFFA0]  }
0x98: {  	v60 =	vld [tilespmem:s21+$0xFFFFFFA0]  }
0x99: {  	v61 =	vld [tilespmem:s18+$0x20]  }
0x9a: {  	v1 =	vld [tilespmem:s18+$0xFFFFFE30]  }
0x9b: {  	v62 =	vld [tilespmem:s21+$0x20]  }
0x9c: {  	v63 =	vld [tilespmem:s18+$0xA0]  }
0x9d: {  	v0 =	vld [tilespmem:s21+$0xA0]  }
0x9e: {  	v24 =	vld [tilespmem:s18+$0x120]  }
0x9f: {  	v2 =	vld [tilespmem:s21+$0x120];
	[tilespmem:$0x1FE30] =	vst v1  }
0xa0: {  	v1 =	vld [tilespmem:s18+$0xFFFFFF30];
	_ =	sdelay $0x2  }
0xa1: {  	v4 =	vld [tilespmem:s21+$0xFFFFFE30]  }
0xa2: {  	v5 =	vld [tilespmem:s18+$0xFFFFFEB0]  }
0xa3: {  	v6 =	vld [tilespmem:s21+$0xFFFFFEB0];
	[tilespmem:$0x1FE40] =	vst v1  }
0xa4: {  	v1 =	vld [tilespmem:s21+$0xFFFFFF30];
	_ =	sdelay $0x4  }
0xa5: {  	[tilespmem:$0x1FE50] =	vst v1  }
0xa6: {  	v3 =	vld [tilespmem:s18+$0x30];
	_ =	sdelay $0x3  }
0xa7: {  	v7 =	vld [tilespmem:s18+$0xFFFFFFB0]  }
0xa8: {  	v1 =	vld [tilespmem:s21+$0xFFFFFFB0];
	[tilespmem:$0x1FE60] =	vst v3  }
0xa9: {  	v3 =	vld [tilespmem:s21+$0x30];
	_ =	sdelay $0x4  }
0xaa: {  	[tilespmem:$0x1FE70] =	vst v3  }
0xab: {  	v3 =	vld [tilespmem:s18+$0xB0];
	_ =	sdelay $0x4  }
0xac: {  	[tilespmem:$0x1FE80] =	vst v3  }
0xad: {  	v3 =	vld [tilespmem:s21+$0xB0];
	_ =	sdelay $0x4  }
0xae: {  	[tilespmem:$0x1FE90] =	vst v3  }
0xaf: {  	v3 =	vld [tilespmem:s18+$0x130];
	_ =	sdelay $0x4  }
0xb0: {  	[tilespmem:$0x1FEA0] =	vst v3  }
0xb1: {  	v3 =	vld [tilespmem:s21+$0x130];
	_ =	sdelay $0x4  }
0xb2: {  	[tilespmem:$0x1FEB0] =	vst v3  }
0xb3: {  	v3 =	vld [tilespmem:s18+$0xFFFFFE40];
	_ =	sdelay $0x4  }
0xb4: {  	[tilespmem:$0x1FEC0] =	vst v3  }
0xb5: {  	v3 =	vld [tilespmem:s21+$0xFFFFFE40];
	_ =	sdelay $0x4  }
0xb6: {  	[tilespmem:$0x1FED0] =	vst v3  }
0xb7: {  	v3 =	vld [tilespmem:s18+$0xFFFFFEC0];
	_ =	sdelay $0x4  }
0xb8: {  	[tilespmem:$0x1FEE0] =	vst v3  }
0xb9: {  	v3 =	vld [tilespmem:s21+$0xFFFFFEC0];
	_ =	sdelay $0x4  }
0xba: {  	[tilespmem:$0x1FEF0] =	vst v3  }
0xbb: {  	v3 =	vld [tilespmem:s18+$0xFFFFFF40];
	_ =	sdelay $0x4  }
0xbc: {  	[tilespmem:$0x1FF00] =	vst v3  }
0xbd: {  	v3 =	vld [tilespmem:s21+$0xFFFFFF40];
	_ =	sdelay $0x4  }
0xbe: {  	[tilespmem:$0x1FF10] =	vst v3  }
0xbf: {  	v3 =	vld [tilespmem:s18+$0xFFFFFFC0];
	_ =	sdelay $0x4  }
0xc0: {  	[tilespmem:$0x1FF20] =	vst v3  }
0xc1: {  	v3 =	vld [tilespmem:s21+$0xFFFFFFC0];
	_ =	sdelay $0x4  }
0xc2: {  	[tilespmem:$0x1FF30] =	vst v3  }
0xc3: {  	v3 =	vld [tilespmem:s18+$0x40]  }
0xc4: {  	v8 =	vmul.f32 v9, v8;
	v9 =	vmul.f32 v11, v10;
	_ =	sdelay $0x1  }
0xc5: {  	v8 =	vadd.f32 v9, v8;
	v9 =	vmul.f32 v13, v12;
	_ =	sdelay $0x1  }
0xc6: {  	v8 =	vadd.f32 v9, v8;
	v9 =	vmul.f32 v15, v14;
	[tilespmem:$0x1FF40] =	vst v3  }
0xc7: {  	v3 =	vld [tilespmem:s21+$0x40]  }
0xc8: {  	v8 =	vadd.f32 v9, v8;
	v9 =	vmul.f32 v17, v16;
	_ =	sdelay $0x1  }
0xc9: {  	v8 =	vadd.f32 v9, v8;
	v9 =	vmul.f32 v19, v18;
	_ =	sdelay $0x1  }
0xca: {  	v8 =	vadd.f32 v9, v8;
	v9 =	vmul.f32 v21, v20;
	[tilespmem:$0x1FF50] =	vst v3  }
0xcb: {  	v3 =	vld [tilespmem:s18+$0xC0]  }
0xcc: {  	v8 =	vadd.f32 v9, v8;
	v9 =	vmul.f32 v23, v22  }
0xcd: {  	v41 =	vmul.f32 v41, v40  }
0xce: {  	v43 =	vmul.f32 v43, v42;
	v46 =	vmul.f32 v47, v46;
	v8 =	vadd.f32 v9, v8  }
0xcf: {  	v26 =	vnsel vm1, $0x0, v26;
	v9 =	vmul.f32 v27, v25;
	v25 =	vmul.f32 v29, v28  }
0xd0: {  	v47 =	vld [tilespmem:$0x1FE20];
	v29 =	vmul.f32 v33, v32;
	v8 =	vadd.f32 v26, v8;
	v26 =	vmul.f32 v35, v34;
	[tilespmem:$0x1FF60] =	vst v3  }
0xd1: {  	v3 =	vld [tilespmem:s21+$0xC0]  }
0xd2: {  	v26 =	vadd.f32 v26, v29;
	v29 =	vadd.f32 v43, v41;
	v41 =	vld [tilespmem:$0x1FEA0]  }
0xd3: {  	v49 =	vmul.f32 v49, v48;
	v51 =	vmul.f32 v51, v50;
	v43 =	vld [tilespmem:$0x1FEB0]  }
0xd4: {  	v48 =	vld [tilespmem:$0x1FEE0]  }
0xd5: {  	v33 =	vadd.f32 v51, v49;
	v49 =	vld [tilespmem:$0x1FEF0]  }
0xd6: {  	v50 =	vld [tilespmem:$0x1FF00];
	[tilespmem:$0x1FF70] =	vst v3;
	v3 =	vmul.f32 v31, v30  }
0xd7: {  	v51 =	vld [tilespmem:$0x1FF10];
	v31 =	vmul.f32 v37, v36;
	v37 =	vmul.f32 v47, v52  }
0xd8: {  	v52 =	vmul.f32 v54, v53;
	v54 =	vmul.f32 v58, v57;
	v57 =	vld [tilespmem:$0x1FE30]  }
0xd9: {  	v58 =	vld [tilespmem:$0x1FE40]  }
0xda: {  	v53 =	vmul.f32 v56, v55;
	v55 =	vmul.f32 v60, v59;
	v59 =	vld [tilespmem:$0x1FE50]  }
0xdb: {  	v60 =	vld [tilespmem:$0x1FE70]  }
0xdc: {  	v56 =	vmul.f32 v62, v61;
	v61 =	vld [tilespmem:$0x1FE80]  }
0xdd: {  	v62 =	vld [tilespmem:$0x1FE90]  }
0xde: {  	v10 =	vld [tilespmem:s18+$0x140]  }
0xdf: {  	v11 =	vld [tilespmem:s21+$0x140]  }
0xe0: {  	v12 =	vld [tilespmem:s18+$0xFFFFFE50]  }
0xe1: {  	v13 =	vld [tilespmem:s21+$0xFFFFFE50]  }
0xe2: {  	v14 =	vld [tilespmem:s18+$0xFFFFFED0]  }
0xe3: {  	v15 =	vld [tilespmem:s21+$0xFFFFFED0]  }
0xe4: {  	v16 =	vld [tilespmem:s18+$0xFFFFFF50]  }
0xe5: {  	v17 =	vld [tilespmem:s21+$0xFFFFFF50]  }
0xe6: {  	v18 =	vld [tilespmem:s18+$0xFFFFFFD0]  }
0xe7: {  	v19 =	vld [tilespmem:s21+$0xFFFFFFD0]  }
0xe8: {  	v20 =	vld [tilespmem:s18+$0x50]  }
0xe9: {  	v21 =	vld [tilespmem:s21+$0x50]  }
0xea: {  	v22 =	vld [tilespmem:s18+$0xD0]  }
0xeb: {  	v23 =	vld [tilespmem:s21+$0xD0]  }
0xec: {  	v27 =	vld [tilespmem:s18+$0x150]  }
0xed: {  	v30 =	vld [tilespmem:s21+$0x150]  }
0xee: {  	v32 =	vld [tilespmem:s18+$0xFFFFFE60]  }
0xef: {  	v34 =	vld [tilespmem:s21+$0xFFFFFE60]  }
0xf0: {  	v36 =	vld [tilespmem:s18+$0xFFFFFEE0]  }
0xf1: {  	v40 =	vld [tilespmem:s18+$0xFFFFFF60]  }
0xf2: {  	v42 =	vld [tilespmem:s18+$0xFFFFFFE0]  }
0xf3: {  	v45 =	vmul.f32 v45, v44;
	v44 =	vld [tilespmem:s21+$0xFFFFFFE0]  }
0xf4: {  	v2 =	vmul.f32 v2, v24;
	v24 =	vld [tilespmem:s21+$0x60]  }
0xf5: {  	v5 =	vmul.f32 v6, v5;
	v6 =	vld [tilespmem:s18+$0xE0]  }
0xf6: {  	v1 =	vmul.f32 v1, v7;
	v7 =	vld [tilespmem:s21+$0xE0]  }
0xf7: {  	v0 =	vmul.f32 v0, v63;
	v63 =	vld [tilespmem:s21+$0x160]  }
0xf8: {  	v47 =	vld [tilespmem:s18+$0xFFFFFE70]  }
0xf9: {  	v25 =	vadd.f32 v3, v25;
	v3 =	vmul.f32 v39, v38;
	v38 =	vld [tilespmem:s21+$0xFFFFFEE0]  }
0xfa: {  	v9 =	vadd.f32 v9, v37;
	v37 =	vld [tilespmem:s21+$0xFFFFFF60]  }
0xfb: {  	v39 =	vld [tilespmem:s18+$0x60]  }
0xfc: {  	v26 =	vadd.f32 v54, v26;
	v54 =	vld [tilespmem:$0x1FF30]  }
0xfd: {  	v29 =	vadd.f32 v56, v29;
	v56 =	vld [tilespmem:$0x1FF40]  }
0xfe: {  	v28 =	vadd.f32 v3, v31;
	v31 =	vadd.f32 v46, v45;
	v45 =	vld [tilespmem:$0x1FEC0]  }
0xff: {  	v9 =	vadd.f32 v52, v9;
	v46 =	vld [tilespmem:$0x1FED0];
	v4 =	vmul.f32 v4, v57  }
0x100: {  	v52 =	vld [tilespmem:s21+$0xFFFFFE70]  }
0x101: {  	v4 =	vadd.f32 v4, v9;
	v9 =	vld [tilespmem:$0x1FE60]  }
0x102: {  	v2 =	vadd.f32 v2, v33;
	v25 =	vadd.f32 v53, v25;
	v53 =	vld [tilespmem:$0x1FF20]  }
0x103: {  	v35 =	vmul.f32 v51, v50;
	v3 =	vmul.f32 v59, v58;
	v57 =	vld [tilespmem:$0x1FF50];
	v28 =	vadd.f32 v55, v28  }
0x104: {  	v58 =	vld [tilespmem:s21+$0xFFFFFEF0];
	v0 =	vadd.f32 v0, v31;
	v10 =	vmul.f32 v11, v10;
	v12 =	vmul.f32 v13, v12  }
0x105: {  	v59 =	vld [tilespmem:$0x1FF60];
	v13 =	vmul.f32 v15, v14;
	v3 =	vadd.f32 v3, v26;
	v26 =	vmul.f32 v62, v61  }
0x106: {  	v5 =	vadd.f32 v5, v25;
	v25 =	vld [tilespmem:s18+$0x160];
	v31 =	vmul.f32 v46, v45;
	v9 =	vmul.f32 v60, v9  }
0x107: {  	v55 =	vld [tilespmem:s18+$0xFFFFFEF0];
	v6 =	vmul.f32 v7, v6;
	v0 =	vadd.f32 v26, v0;
	v26 =	vmul.f32 v49, v48  }
0x108: {  	v4 =	vadd.f32 v31, v4;
	v60 =	vld [tilespmem:$0x1FF70];
	v9 =	vadd.f32 v9, v29;
	v29 =	vmul.f32 v43, v41  }
0x109: {  	v11 =	vld [tilespmem:s18+$0xFFFFFF70];
	v1 =	vadd.f32 v1, v28;
	v5 =	vadd.f32 v26, v5;
	v26 =	vmul.f32 v57, v56  }
0x10a: {  	v4 =	vadd.f32 v12, v4;
	v12 =	vmul.f32 v19, v18;
	v18 =	vld [tilespmem:s18+$0x70];
	v2 =	vadd.f32 v29, v2  }
0x10b: {  	v3 =	vadd.f32 v35, v3;
	v7 =	vmul.f32 v63, v25;
	v19 =	vld [tilespmem:s21+$0x70];
	v29 =	vmul.f32 v54, v53  }
0x10c: {  	v14 =	vld [tilespmem:s21+$0xFFFFFF70];
	v5 =	vadd.f32 v13, v5;
	v2 =	vadd.f32 v10, v2;
	v10 =	vmul.f32 v17, v16  }
0x10d: {  	v15 =	vld [tilespmem:s18+$0xFFFFFFF0];
	v9 =	vadd.f32 v26, v9;
	v1 =	vadd.f32 v29, v1;
	v29 =	vmul.f32 v60, v59  }
0x10e: {  	v16 =	vmul.f32 v23, v22;
	v23 =	vld [tilespmem:s22+$0xFFFFFFFC];
	v3 =	vadd.f32 v10, v3;
	v10 =	vmul.f32 v21, v20  }
0x10f: {  	v13 =	vld [tilespmem:s21+$0xFFFFFFF0];
	v17 =	vmul.f32 v34, v32;
	v1 =	vadd.f32 v12, v1;
	v12 =	vmul.f32 v30, v27  }
0x110: {  	v61 =	vmul.f32 v19, v18;
	v0 =	vadd.f32 v29, v0;
	v20 =	vld [tilespmem:s21+$0xF0];
	v9 =	vadd.f32 v10, v9  }
0x111: {  	v21 =	vld [tilespmem:s18+$0x170];
	v10 =	vmul.f32 v38, v36;
	v2 =	vadd.f32 v12, v2;
	v12 =	vmul.f32 v37, v40  }
0x112: {  	v4 =	vadd.f32 v17, v4;
	v17 =	vmul.f32 v24, v39;
	v0 =	vadd.f32 v16, v0;
	v16 =	vld [tilespmem:s18+$0xF0]  }
0x113: {  	v63 =	vnsel vm1, $0x0, v23;
	v5 =	vadd.f32 v10, v5;
	v3 =	vadd.f32 v12, v3;
	v12 =	vld [tilespmem:s21+$0x170]  }
0x114: {  	v10 =	vmul.f32 v44, v42;
	v22 =	vadd.f32 v17, v9;
	v9 =	vmul.f32 v52, v47  }
0x115: {  	v0 =	vadd.f32 v6, v0;
	v2 =	vadd.f32 v7, v2;
	v6 =	vmul.f32 v58, v55;
	v7 =	vld [tilespmem:s22+$0xFFFFFFFD]  }
0x116: {  	v17 =	vld [tilespmem:s22+$0xFFFFFFFE];
	v1 =	vadd.f32 v10, v1;
	v4 =	vadd.f32 v9, v4;
	v10 =	vmul.f32 v14, v11  }
0x117: {  	v11 =	vmul.f32 v13, v15;
	v9 =	vadd.f32 v6, v5;
	v15 =	vld [tilespmem:s22+$0xFFFFFFFF];
	v13 =	vadd.f32 v61, v22  }
0x118: {  	s17 =	sshll.u32 s3, $0xC;
	s31 =	smov.u32 s21;
	v14 =	vld [tilespmem:s22+$0x0];
	v6 =	vmul.f32 v20, v16;
	v10 =	vadd.f32 v10, v3;
	v62 =	vmul.f32 v12, v21  }
0x119: {  	s29 =	smov.u32 s0;
	s30 =	smov.u32 s22;
	s1 =	sand.u32 $0x1000, s17;
	v16 =	vld [tilespmem:s22+$0x1];
	v11 =	vadd.f32 v11, v1;
	v19 =	vadd.f32 v63, v4  }
0x11a: {  	s17 =	simm.s32 $0x0;
	s1 =	sor.u32 $0x4100, s1;
	[tilespmem:s0+$0x30] =	vst v8;
	v18 =	vld [tilespmem:s22+$0x2];
	s18 =	sadd.s32 $0x400, s18;
	v12 =	vadd.f32 v6, v0;
	v20 =	vnsel vm1, $0x0, v7;
	v8 =	vadd.f32 v62, v2  }
.LBB2_3:
0x11b: {  	v0 =	vld [tilespmem:s18+$0x180];
	v1 =	vadd.f32 v20, v9;
	v2 =	vnsel vm1, $0x0, v17;
	s31 =	sadd.s32 $0x400, s31  }
0x11c: {  	v3 =	vld [tilespmem:s31+$0x180];
	[tilespmem:s29+$0xFFFFFFC0] =	vst v19;
	v2 =	vadd.f32 v2, v10;
	v4 =	vnsel vm1, $0x0, v15  }
0x11d: {  	v5 =	vld [tilespmem:s18+$0x190];
	[tilespmem:s29+$0xFFFFFFD0] =	vst v1;
	v1 =	vadd.f32 v4, v11;
	v4 =	vnsel vm1, $0x0, v14  }
0x11e: {  	s17 =	sadd.s32 $0x8, s17;
	v6 =	vld [tilespmem:s31+$0x190];
	[tilespmem:s29+$0xFFFFFFE0] =	vst v2;
	v2 =	vadd.f32 v4, v13;
	v4 =	vnsel vm1, $0x0, v16  }
0x11f: {  	p5 =	slt.u32 s17, $0x18;
	v7 =	vld [tilespmem:s18+$0x1A0];
	[tilespmem:s29+$0xFFFFFFF0] =	vst v1;
	v1 =	vadd.f32 v4, v12;
	v4 =	vnsel vm1, $0x0, v18  }
0x120: {  	v9 =	vld [tilespmem:s31+$0x1A0];
	[tilespmem:s29+$0x0] =	vst v2;
	v2 =	vadd.f32 v4, v8  }
0x121: {  	v4 =	vld [tilespmem:s18+$0x1B0];
	[tilespmem:s29+$0x10] =	vst v1  }
0x122: {  	v1 =	vld [tilespmem:s31+$0x1B0];
	[tilespmem:s29+$0x20] =	vst v2  }
0x123: {  	v0 =	vmul.f32 v3, v0;
	v2 =	vmul.f32 v6, v5;
	v3 =	vld [tilespmem:s18+$0x1C0]  }
0x124: {  	v5 =	vld [tilespmem:s31+$0x1C0]  }
0x125: {  	v0 =	vadd.f32 v2, v0;
	v2 =	vmul.f32 v9, v7;
	v6 =	vld [tilespmem:s18+$0x1D0]  }
0x126: {  	v7 =	vld [tilespmem:s31+$0x1D0]  }
0x127: {  	v0 =	vadd.f32 v2, v0;
	v1 =	vmul.f32 v1, v4;
	v2 =	vld [tilespmem:s18+$0x1E0]  }
0x128: {  	v4 =	vld [tilespmem:s31+$0x1E0]  }
0x129: {  	v0 =	vadd.f32 v1, v0;
	v1 =	vmul.f32 v5, v3;
	v3 =	vld [tilespmem:s18+$0x1F0]  }
0x12a: {  	v5 =	vld [tilespmem:s31+$0x1F0]  }
0x12b: {  	v8 =	vld [tilespmem:s31+$0xFFFFFE00];
	v0 =	vadd.f32 v1, v0;
	v1 =	vmul.f32 v7, v6  }
0x12c: {  	s30 =	sadd.s32 $0x8, s30;
	v6 =	vld [tilespmem:s18+$0xFFFFFE10]  }
0x12d: {  	v0 =	vadd.f32 v1, v0;
	v1 =	vmul.f32 v4, v2;
	v2 =	vld [tilespmem:s30+$0x3]  }
0x12e: {  	v4 =	vld [tilespmem:s31+$0xFFFFFE10]  }
0x12f: {  	v7 =	vld [tilespmem:s18+$0xFFFFFE80];
	v0 =	vadd.f32 v1, v0;
	v1 =	vmul.f32 v5, v3  }
0x130: {  	v3 =	vld [tilespmem:s31+$0xFFFFFE80]  }
0x131: {  	v5 =	vld [tilespmem:s18+$0xFFFFFE90];
	v0 =	vadd.f32 v1, v0  }
0x132: {  	v1 =	vld [tilespmem:s31+$0xFFFFFE90];
	v2 =	vnsel vm1, $0x0, v2  }
0x133: {  	v4 =	vmul.f32 v4, v6;
	v6 =	vld [tilespmem:s18+$0xFFFFFF00];
	v0 =	vadd.f32 v2, v0  }
0x134: {  	s29 =	sadd.s32 $0x80, s29;
	v2 =	vld [tilespmem:s31+$0xFFFFFF00]  }
0x135: {  	v3 =	vmul.f32 v3, v7;
	v7 =	vld [tilespmem:s18+$0xFFFFFF10];
	[tilespmem:s29+$0x30] =	vst v0  }
0x136: {  	v0 =	vld [tilespmem:s31+$0xFFFFFF10]  }
0x137: {  	v1 =	vmul.f32 v1, v5;
	v5 =	vld [tilespmem:s18+$0xFFFFFF80]  }
0x138: {  	v9 =	vld [tilespmem:s31+$0xFFFFFF80]  }
0x139: {  	v1 =	vadd.f32 v1, v3;
	v2 =	vmul.f32 v2, v6;
	v3 =	vld [tilespmem:s18+$0xFFFFFF90]  }
0x13a: {  	v6 =	vld [tilespmem:s31+$0xFFFFFF90]  }
0x13b: {  	v0 =	vmul.f32 v0, v7;
	v7 =	vld [tilespmem:s18+$0x0]  }
0x13c: {  	v10 =	vld [tilespmem:s31+$0x0]  }
0x13d: {  	v0 =	vadd.f32 v0, v2;
	v2 =	vmul.f32 v9, v5;
	v5 =	vld [tilespmem:s18+$0x10]  }
0x13e: {  	v9 =	vld [tilespmem:s31+$0x10]  }
0x13f: {  	v3 =	vmul.f32 v6, v3;
	v6 =	vld [tilespmem:s18+$0x80]  }
0x140: {  	v11 =	vld [tilespmem:s31+$0x80]  }
0x141: {  	v2 =	vadd.f32 v3, v2;
	v3 =	vmul.f32 v10, v7;
	v7 =	vld [tilespmem:s18+$0x90]  }
0x142: {  	v10 =	vld [tilespmem:s31+$0x90]  }
0x143: {  	v5 =	vmul.f32 v9, v5;
	v9 =	vld [tilespmem:s18+$0x100]  }
0x144: {  	v12 =	vld [tilespmem:s31+$0x100]  }
0x145: {  	v3 =	vadd.f32 v5, v3;
	v5 =	vmul.f32 v11, v6;
	v6 =	vld [tilespmem:s18+$0x110]  }
0x146: {  	v11 =	vld [tilespmem:s31+$0x110]  }
0x147: {  	v13 =	vld [tilespmem:s18+$0xFFFFFE00];
	v7 =	vmul.f32 v10, v7  }
0x148: {  	v10 =	vld [tilespmem:s18+$0xFFFFFE20]  }
0x149: {  	v14 =	vld [tilespmem:s31+$0xFFFFFE20];
	v5 =	vadd.f32 v7, v5;
	v7 =	vmul.f32 v12, v9  }
0x14a: {  	v9 =	vld [tilespmem:s18+$0xFFFFFEA0]  }
0x14b: {  	v12 =	vld [tilespmem:s31+$0xFFFFFEA0];
	v6 =	vmul.f32 v11, v6  }
0x14c: {  	v8 =	vmul.f32 v8, v13;
	v11 =	vld [tilespmem:s18+$0xFFFFFF20]  }
0x14d: {  	v13 =	vld [tilespmem:s31+$0xFFFFFF20];
	v6 =	vadd.f32 v6, v7  }
0x14e: {  	v4 =	vadd.f32 v4, v8;
	v7 =	vmul.f32 v14, v10;
	v8 =	vld [tilespmem:s18+$0xFFFFFFA0]  }
0x14f: {  	v10 =	vld [tilespmem:s31+$0xFFFFFFA0]  }
0x150: {  	v4 =	vadd.f32 v7, v4;
	v7 =	vmul.f32 v12, v9;
	v9 =	vld [tilespmem:s18+$0x20]  }
0x151: {  	v12 =	vld [tilespmem:s31+$0x20]  }
0x152: {  	v1 =	vadd.f32 v7, v1;
	v7 =	vmul.f32 v13, v11;
	v11 =	vld [tilespmem:s18+$0xA0]  }
0x153: {  	v13 =	vld [tilespmem:s31+$0xA0]  }
0x154: {  	v0 =	vadd.f32 v7, v0;
	v7 =	vmul.f32 v10, v8;
	v8 =	vld [tilespmem:s18+$0x120]  }
0x155: {  	v10 =	vld [tilespmem:s31+$0x120]  }
0x156: {  	v14 =	vld [tilespmem:s18+$0xFFFFFE30];
	v2 =	vadd.f32 v7, v2;
	v7 =	vmul.f32 v12, v9  }
0x157: {  	v9 =	vld [tilespmem:s31+$0xFFFFFE30]  }
0x158: {  	v12 =	vld [tilespmem:s18+$0xFFFFFEB0];
	v3 =	vadd.f32 v7, v3;
	v7 =	vmul.f32 v13, v11  }
0x159: {  	v11 =	vld [tilespmem:s31+$0xFFFFFEB0]  }
0x15a: {  	v13 =	vld [tilespmem:s18+$0xFFFFFF30];
	v5 =	vadd.f32 v7, v5;
	v7 =	vmul.f32 v10, v8  }
0x15b: {  	v8 =	vld [tilespmem:s31+$0xFFFFFF30]  }
0x15c: {  	v9 =	vmul.f32 v9, v14;
	v10 =	vld [tilespmem:s18+$0xFFFFFFB0];
	v6 =	vadd.f32 v7, v6  }
0x15d: {  	v7 =	vld [tilespmem:s31+$0xFFFFFFB0]  }
0x15e: {  	v4 =	vadd.f32 v9, v4;
	v9 =	vmul.f32 v11, v12;
	v11 =	vld [tilespmem:s18+$0x30]  }
0x15f: {  	v12 =	vld [tilespmem:s31+$0x30]  }
0x160: {  	v1 =	vadd.f32 v9, v1;
	v8 =	vmul.f32 v8, v13;
	v9 =	vld [tilespmem:s18+$0xB0]  }
0x161: {  	v13 =	vld [tilespmem:s31+$0xB0]  }
0x162: {  	v0 =	vadd.f32 v8, v0;
	v7 =	vmul.f32 v7, v10;
	v8 =	vld [tilespmem:s18+$0x130]  }
0x163: {  	v10 =	vld [tilespmem:s31+$0x130]  }
0x164: {  	v14 =	vld [tilespmem:s18+$0xFFFFFE40];
	v2 =	vadd.f32 v7, v2;
	v7 =	vmul.f32 v12, v11  }
0x165: {  	v11 =	vld [tilespmem:s31+$0xFFFFFE40]  }
0x166: {  	v12 =	vld [tilespmem:s18+$0xFFFFFEC0];
	v3 =	vadd.f32 v7, v3;
	v7 =	vmul.f32 v13, v9  }
0x167: {  	v9 =	vld [tilespmem:s31+$0xFFFFFEC0]  }
0x168: {  	v13 =	vld [tilespmem:s18+$0xFFFFFF40];
	v5 =	vadd.f32 v7, v5;
	v7 =	vmul.f32 v10, v8  }
0x169: {  	v8 =	vld [tilespmem:s31+$0xFFFFFF40]  }
0x16a: {  	v10 =	vmul.f32 v11, v14;
	v11 =	vld [tilespmem:s18+$0xFFFFFFC0];
	v6 =	vadd.f32 v7, v6  }
0x16b: {  	v7 =	vld [tilespmem:s31+$0xFFFFFFC0]  }
0x16c: {  	v4 =	vadd.f32 v10, v4;
	v9 =	vmul.f32 v9, v12;
	v10 =	vld [tilespmem:s18+$0x40]  }
0x16d: {  	v12 =	vld [tilespmem:s31+$0x40]  }
0x16e: {  	v1 =	vadd.f32 v9, v1;
	v8 =	vmul.f32 v8, v13;
	v9 =	vld [tilespmem:s18+$0xC0]  }
0x16f: {  	v13 =	vld [tilespmem:s31+$0xC0]  }
0x170: {  	v0 =	vadd.f32 v8, v0;
	v7 =	vmul.f32 v7, v11;
	v8 =	vld [tilespmem:s18+$0x140]  }
0x171: {  	v11 =	vld [tilespmem:s31+$0x140]  }
0x172: {  	v14 =	vld [tilespmem:s18+$0xFFFFFE50];
	v2 =	vadd.f32 v7, v2;
	v7 =	vmul.f32 v12, v10  }
0x173: {  	v10 =	vld [tilespmem:s31+$0xFFFFFE50]  }
0x174: {  	v12 =	vld [tilespmem:s18+$0xFFFFFED0];
	v3 =	vadd.f32 v7, v3;
	v7 =	vmul.f32 v13, v9  }
0x175: {  	v9 =	vld [tilespmem:s31+$0xFFFFFED0]  }
0x176: {  	v13 =	vld [tilespmem:s18+$0xFFFFFF50];
	v5 =	vadd.f32 v7, v5;
	v7 =	vmul.f32 v11, v8  }
0x177: {  	v8 =	vld [tilespmem:s31+$0xFFFFFF50]  }
0x178: {  	v10 =	vmul.f32 v10, v14;
	v11 =	vld [tilespmem:s18+$0xFFFFFFD0];
	v6 =	vadd.f32 v7, v6  }
0x179: {  	v7 =	vld [tilespmem:s31+$0xFFFFFFD0]  }
0x17a: {  	v4 =	vadd.f32 v10, v4;
	v9 =	vmul.f32 v9, v12;
	v10 =	vld [tilespmem:s18+$0x50]  }
0x17b: {  	v12 =	vld [tilespmem:s31+$0x50]  }
0x17c: {  	v1 =	vadd.f32 v9, v1;
	v8 =	vmul.f32 v8, v13;
	v9 =	vld [tilespmem:s18+$0xD0]  }
0x17d: {  	v13 =	vld [tilespmem:s31+$0xD0]  }
0x17e: {  	v0 =	vadd.f32 v8, v0;
	v7 =	vmul.f32 v7, v11;
	v8 =	vld [tilespmem:s18+$0x150]  }
0x17f: {  	v11 =	vld [tilespmem:s31+$0x150]  }
0x180: {  	v14 =	vld [tilespmem:s18+$0xFFFFFE60];
	v2 =	vadd.f32 v7, v2;
	v7 =	vmul.f32 v12, v10  }
0x181: {  	v10 =	vld [tilespmem:s31+$0xFFFFFE60]  }
0x182: {  	v12 =	vld [tilespmem:s18+$0xFFFFFEE0];
	v3 =	vadd.f32 v7, v3;
	v7 =	vmul.f32 v13, v9  }
0x183: {  	v9 =	vld [tilespmem:s31+$0xFFFFFEE0]  }
0x184: {  	v13 =	vld [tilespmem:s18+$0xFFFFFF60];
	v5 =	vadd.f32 v7, v5;
	v7 =	vmul.f32 v11, v8  }
0x185: {  	v8 =	vld [tilespmem:s31+$0xFFFFFF60]  }
0x186: {  	v10 =	vmul.f32 v10, v14;
	v11 =	vld [tilespmem:s18+$0xFFFFFFE0];
	v6 =	vadd.f32 v7, v6  }
0x187: {  	v7 =	vld [tilespmem:s31+$0xFFFFFFE0]  }
0x188: {  	v4 =	vadd.f32 v10, v4;
	v9 =	vmul.f32 v9, v12;
	v10 =	vld [tilespmem:s18+$0x60]  }
0x189: {  	v12 =	vld [tilespmem:s31+$0x60]  }
0x18a: {  	v1 =	vadd.f32 v9, v1;
	v8 =	vmul.f32 v8, v13;
	v9 =	vld [tilespmem:s18+$0xE0]  }
0x18b: {  	v13 =	vld [tilespmem:s31+$0xE0]  }
0x18c: {  	v0 =	vadd.f32 v8, v0;
	v7 =	vmul.f32 v7, v11;
	v8 =	vld [tilespmem:s18+$0x160]  }
0x18d: {  	v11 =	vld [tilespmem:s31+$0x160]  }
0x18e: {  	v14 =	vld [tilespmem:s18+$0xFFFFFE70];
	v2 =	vadd.f32 v7, v2;
	v7 =	vmul.f32 v12, v10  }
0x18f: {  	v10 =	vld [tilespmem:s31+$0xFFFFFE70]  }
0x190: {  	v12 =	vld [tilespmem:s18+$0xFFFFFEF0];
	v3 =	vadd.f32 v7, v3;
	v7 =	vmul.f32 v13, v9  }
0x191: {  	v9 =	vld [tilespmem:s31+$0xFFFFFEF0]  }
0x192: {  	v13 =	vld [tilespmem:s18+$0xFFFFFF70];
	v5 =	vadd.f32 v7, v5;
	v7 =	vmul.f32 v11, v8  }
0x193: {  	v8 =	vld [tilespmem:s31+$0xFFFFFF70]  }
0x194: {  	v10 =	vmul.f32 v10, v14;
	v11 =	vld [tilespmem:s18+$0xFFFFFFF0];
	v6 =	vadd.f32 v7, v6  }
0x195: {  	v7 =	vld [tilespmem:s31+$0xFFFFFFF0]  }
0x196: {  	v4 =	vadd.f32 v10, v4;
	v9 =	vmul.f32 v9, v12;
	v12 =	vld [tilespmem:s18+$0x70]  }
0x197: {  	v14 =	vld [tilespmem:s31+$0x70]  }
0x198: {  	v9 =	vadd.f32 v9, v1;
	v1 =	vmul.f32 v8, v13;
	v8 =	vld [tilespmem:s18+$0xF0]  }
0x199: {  	v15 =	vld [tilespmem:s31+$0xF0]  }
0x19a: {  	v10 =	vadd.f32 v1, v0;
	v0 =	vmul.f32 v7, v11;
	v1 =	vld [tilespmem:s18+$0x170]  }
0x19b: {  	v7 =	vld [tilespmem:s31+$0x170]  }
0x19c: {  	v16 =	vld [tilespmem:s30+$0xFFFFFFFC];
	v11 =	vadd.f32 v0, v2;
	v0 =	vmul.f32 v14, v12  }
0x19d: {  	v2 =	vld [tilespmem:s30+$0xFFFFFFFD]  }
.Ltmp0:
0x19e: {  	v17 =	vld [tilespmem:s30+$0xFFFFFFFE];
	v13 =	vadd.f32 v0, v3;
	v0 =	vmul.f32 v15, v8;
	(pc) =	sbr.rel @p5 .LBB2_3-.Ltmp0, $4  }
0x19f: {  	v15 =	vld [tilespmem:s30+$0xFFFFFFFF]  }
0x1a0: {  	v14 =	vld [tilespmem:s30+$0x0];
	v12 =	vadd.f32 v0, v5;
	v0 =	vmul.f32 v7, v1  }
0x1a1: {  	v1 =	vnsel vm1, $0x0, v16;
	v16 =	vld [tilespmem:s30+$0x1]  }
0x1a2: {  	s18 =	sadd.s32 $0x400, s18;
	v19 =	vadd.f32 v1, v4;
	v20 =	vnsel vm1, $0x0, v2;
	v8 =	vadd.f32 v0, v6;
	v18 =	vld [tilespmem:s30+$0x2]  }
0x1a3: {  	v0 =	vadd.f32 v20, v9;
	v1 =	vnsel vm1, $0x0, v17  }
0x1a4: {  	[tilespmem:s29+$0xFFFFFFC0] =	vst v19;
	v1 =	vadd.f32 v1, v10;
	v2 =	vnsel vm1, $0x0, v15  }
0x1a5: {  	[tilespmem:s29+$0xFFFFFFD0] =	vst v0;
	v57 =	vadd.f32 v2, v11;
	v58 =	vnsel vm1, $0x0, v14  }
0x1a6: {  	[tilespmem:s29+$0xFFFFFFE0] =	vst v1;
	v59 =	vadd.f32 v58, v13;
	v60 =	vnsel vm1, $0x0, v16  }
0x1a7: {  	p5 =	sgt.u32 s3, $0x1;
	[tilespmem:s29+$0xFFFFFFF0] =	vst v57;
	v61 =	vadd.f32 v60, v12;
	v62 =	vnsel vm1, $0x0, v18  }
0x1a8: {  	s17 =	sshll.u32 @!p5 s3, $0x5;
	[tilespmem:s29+$0x0] =	vst v59;
	v63 =	vadd.f32 v62, v8  }
0x1a9: {  	s17 =	sand.u32 @!p5 $0x3FFFFFE0, s17;
	[tilespmem:s29+$0x10] =	vst v61  }
0x1aa: {  	s18 =	simm.s32 @!p5 $0x20;
	s3 =	sadd.s32 $0x1, s3;
	s17 =	sadd.s32 @!p5 $0x40, s17;
	[tilespmem:s29+$0x20] =	vst v63  }
0x1ab: {  	[tilespmem:s1], [sflag:$0x1] =	stream.indirect.gather @!p5 [hbm4b:s2+s18], $0x80, s17, s18, $0xb8;
	[tilespmem:$0x8B70] =	vst v63  }
0x1ac: {  	p5 =	sne.s32 s3, $0x4  }
.Ltmp1:
0x1ad: {  	_ = 	snop;
	(pc) =	sbr.rel @p5 .LBB2_2-.Ltmp1, $3  }
0x1ae: {  	_ =	sdelay $0x1  }
0x1af: {  	p4 =	por !p4, !p4  }
0x1b0: {  	s0 =	sadd.s32 $0x200, s0;
	s22 =	sadd.s32 $0x20, s22;
	s21 =	sadd.s32 $0x1000, s21  }
0x1b1: {  	s28 =	sadd.s32 $0x1, s28  }
0x1b2: {  	p4 =	sne.s32 s28, s15  }
.Ltmp2:
0x1b3: {  	_ = 	snop;
	(pc) =	sbr.rel @p4 .LBB2_1-.Ltmp2, $4  }
0x1b4: {  	[hbm4b:s14+s5] =	stream.linear.scatter [tilespmem:s26], [sflag:$0x5], $0x800, $0x38;
	[tilespmem:$0x8B70] =	vst v63  }
0x1b5: {  	_ =	swait.ge [sflag:s19], $0x800  }
0x1b6: {  	[sflag:s19] =	ssyncset.done $0x0  }
0x1b7: {  	[sflag:s19] =	ssyncadd.s32 $0xFFFFF800  }
0x1b8: {  	_ =	sfence.sel $0x180000  }
0x1b9: {  	[bflag:$0x0] =	sbarrier.arrive $0xFFFF  }
0x1ba: {  	_ =	strace $0x90000047  }
0x1bb: {  	s0 =	stileid.u32;
	[bflag:$0x2] =	sbarrier.arrive $0xFFFF  }
0x1bc: {  	p0 =	sne.s32 s0, $0x0;
	s0 =	rddreg [dreg:$0x7]  }
0x1bd: {  	s0 =	sadd.s32 @!p0 $0x100000, s0  }
0x1be: {  	[sflag:s0] =	ssyncadd.tile.s32 @!p0 $0x1;
	_ =	shalt  }
.Lfunc_end2:
_tile_overlayer_lowered:
.L_overlay_start_2:
0x1bf: {  	(tag) =	ssettag $0x2  }
0x1c0: {  	s0 =	rddreg [dreg:$0x0];
	s2 =	stileid.u32  }
0x1c1: {  	s1 =	rddreg [dreg:$0x1];
	p0 =	sne.s32 s2, $0x0  }
0x1c2: {  	s3 =	rddreg [dreg:$0x2];
	[bflag:$0x3] =	sbarrier.arrive $0xFFFF;
	s2 =	simm.s32 @!p0 $0x1C05  }
0x1c3: {  	[timem:s3], [sflag:s2] =	dma.local @!p0 [hbm:s0], s1  }
0x1c4: {  	s0 =	simm.s32 @!p0 $0x5  }
0x1c5: {  	_ =	swait.ge @!p0 [sflag:s0], s1  }
0x1c6: {  	s1 =	ssub.s32 @!p0 $0x0, s1;
	[sflag:s0] =	ssyncset.done @!p0 $0x0  }
0x1c7: {  	[sflag:s0] =	ssyncadd.s32 @!p0 s1  }
0x1c8: {  	[bflag:$0x3] =	sbarrier.arrive $0xFFFF  }
0x1c9: {  	_ =	shalt  }

</sc_bundles>
